<compile_context>
chip_gen: v7x
topology: tpu7x:2x2x1
jax: 0.10.2.dev20260603
libtpu: 0.0.44.dev20260713+nightly
codegen_flags: <defaults>
</compile_context>

<pallas_src>
import functools

import jax
import jax.numpy as jnp
from jax import lax
from jax.experimental import layout as jex_layout
from jax.experimental import pallas as pl
from jax.experimental.pallas import tpu as pltpu
from jax.experimental.pallas import tpu_sc as plsc

LN_EPS = 1e-5

NC = 2
NS = 16
NW = NC * NS
LANES = 16


def _rsqrt_vec(x):
    i = plsc.bitcast(x, jnp.int32)
    i = jnp.int32(0x5F3759DF) - (i >> 1)
    y = plsc.bitcast(i, jnp.float32)
    half = x * 0.5
    for _ in range(3):
        y = y * (1.5 - half * y * y)
    return y


def _make_sc_call(n_seqs, vocab, d, seq_len):
    assert d == 4 * LANES
    assert n_seqs % NW == 0
    seqs_per_w = n_seqs // NW
    assert seqs_per_w % 2 == 0
    nj = d // LANES

    mesh = plsc.VectorSubcoreMesh(
        core_axis_name="c", subcore_axis_name="s",
        num_cores=NC, num_subcores=NS,
    )

    def body(ids_hbm, tok_hbm, pos_hbm, g_hbm, b_hbm, out_hbm,
             idx_all, rows0, rows1, out0, out1, pos_v, g_v, b_v,
             sem_g0, sem_g1, sem_o0, sem_o1):
        wid = lax.axis_index("s") * NC + lax.axis_index("c")
        seq_base = wid * seqs_per_w

        pltpu.sync_copy(pos_hbm, pos_v)
        pltpu.sync_copy(g_hbm, g_v)
        pltpu.sync_copy(b_hbm, b_v)
        pltpu.sync_copy(ids_hbm.at[pl.ds(seq_base, seqs_per_w)], idx_all)
        gs = [g_v[pl.ds(LANES * j, LANES)] for j in range(nj)]
        bs = [b_v[pl.ds(LANES * j, LANES)] for j in range(nj)]

        rows = [rows0, rows1]
        outs = [out0, out1]
        sems_g = [sem_g0, sem_g1]
        sems_o = [sem_o0, sem_o1]

        def gather(c, b):
            pltpu.async_copy(tok_hbm.at[idx_all.at[c]], rows[b], sems_g[b])

        def wait_gather(b):
            pltpu.make_async_copy(
                tok_hbm.at[idx_all.at[0]], rows[b], sems_g[b]).wait()

        def put(c, b):
            pltpu.async_copy(
                outs[b], out_hbm.at[pl.ds((seq_base + c) * seq_len, seq_len)],
                sems_o[b])

        def wait_put(b):
            pltpu.make_async_copy(
                outs[b], out_hbm.at[pl.ds(0, seq_len)], sems_o[b]).wait()

        def compute(b):
            rows_v = rows[b]
            out_v = outs[b]

            @plsc.parallel_loop(0, seq_len, unroll=8)
            def token_body(i):
                e = [rows_v[i, pl.ds(LANES * j, LANES)]
                     + pos_v[i, pl.ds(LANES * j, LANES)]
                     for j in range(nj)]
                t = (e[0] + e[1]) + (e[2] + e[3])
                sq = [ej * ej for ej in e]
                ts = (sq[0] + sq[1]) + (sq[2] + sq[3])
                s = jnp.broadcast_to(jnp.sum(t), (LANES,))
                ss = jnp.broadcast_to(jnp.sum(ts), (LANES,))
                mean = s * (1.0 / d)
                var = ss * (1.0 / d) - mean * mean
                rinv = _rsqrt_vec(var + LN_EPS)
                for j in range(nj):
                    out_v[i, pl.ds(LANES * j, LANES)] = (
                        (e[j] - mean) * (rinv * gs[j]) + bs[j])

        gather(0, 0)
        gather(1, 1)

        def pair_body(i, carry):
            c0 = 2 * i
            for b in range(2):
                c = c0 + b
                wait_gather(b)

                @pl.when(c >= 2)
                def _():
                    wait_put(b)

                compute(b)
                put(c, b)

                @pl.when(c + 2 < seqs_per_w)
                def _():
                    gather(c + 2, b)
            return carry

        lax.fori_loop(0, seqs_per_w // 2, pair_body, 0)
        wait_put(0)
        wait_put(1)

    return pl.kernel(
        body,
        out_type=jax.ShapeDtypeStruct((n_seqs * seq_len, d), jnp.float32),
        mesh=mesh,
        compiler_params=pltpu.CompilerParams(
            needs_layout_passes=False, use_tc_tiling_on_sc=False,
            skip_device_barrier=True),
        scratch_types=[
            pltpu.VMEM((seqs_per_w, seq_len), jnp.int32),
            pltpu.VMEM((seq_len, d), jnp.float32),
            pltpu.VMEM((seq_len, d), jnp.float32),
            pltpu.VMEM((seq_len, d), jnp.float32),
            pltpu.VMEM((seq_len, d), jnp.float32),
            pltpu.VMEM((seq_len, d), jnp.float32),
            pltpu.VMEM((d,), jnp.float32),
            pltpu.VMEM((d,), jnp.float32),
            pltpu.SemaphoreType.DMA,
            pltpu.SemaphoreType.DMA,
            pltpu.SemaphoreType.DMA,
            pltpu.SemaphoreType.DMA,
        ],
    )


def _impl(token_ids, token_table, pos_table, ln_gamma, ln_beta):
    batch, seq_len = token_ids.shape
    vocab, d = token_table.shape
    n_tokens = batch * seq_len
    ids = token_ids.reshape(n_tokens // seq_len, seq_len).astype(jnp.int32)
    call = _make_sc_call(n_tokens // seq_len, vocab, d, seq_len)
    out = call(ids, token_table, pos_table, ln_gamma, ln_beta)
    return out.reshape(batch, seq_len, d)


@functools.lru_cache(maxsize=None)
def _jitted(sharding):
    fmt = jex_layout.Format(
        jex_layout.Layout(major_to_minor=(0, 1, 2)), sharding)
    return functools.partial(jax.jit, out_shardings=fmt)(_impl)


def kernel(token_ids, token_table, pos_table, ln_gamma, ln_beta):
    sharding = getattr(token_ids, "sharding", None)
    if sharding is None or isinstance(token_ids, jax.core.Tracer):
        return _impl(token_ids, token_table, pos_table, ln_gamma, ln_beta)
    return _jitted(sharding)(
        token_ids, token_table, pos_table, ln_gamma, ln_beta)

# --- scband reference (transcript-rebuilt; emitter-appended) ---
"""Pipeline reference for scband-text-embedding-20907900797058 (READ-ONLY COPY).

The authoritative reference and input builder live on the scoring server;
editing this copy changes nothing except your own understanding.
"""

import jax, jax.numpy as jnp
import numpy as np

VOCAB = 1000000
EMBED_DIM = 64
MAX_SEQ_LEN = 200
BATCH = 4096
SEQ_LEN = 200
LN_EPS = 1e-5


def setup_inputs(seed: int = 0) -> dict:
    key = jax.random.key(seed)
    k_ids, k_tok, k_pos = jax.random.split(key, 3)
    token_ids = jax.random.randint(k_ids, (BATCH, SEQ_LEN), 0, VOCAB, dtype=jnp.int64 if jax.config.jax_enable_x64 else jnp.int32)
    token_table = jax.random.normal(k_tok, (VOCAB, EMBED_DIM), dtype=jnp.float32) * 0.02
    pos_table = jax.random.normal(k_pos, (MAX_SEQ_LEN, EMBED_DIM), dtype=jnp.float32) * 0.02
    ln_gamma = jnp.ones((EMBED_DIM,), dtype=jnp.float32)
    ln_beta = jnp.zeros((EMBED_DIM,), dtype=jnp.float32)
    return {"token_ids": token_ids, "token_table": token_table, "pos_table": pos_table, "ln_gamma": ln_gamma, "ln_beta": ln_beta}


def reference(token_ids, token_table, pos_table, ln_gamma, ln_beta):
    # token embedding lookup (gather)
    tok_emb = jnp.take(token_table, token_ids, axis=0)  # (B, S, D)
    # position embedding lookup
    seq_len = token_ids.shape[1]
    positions = jnp.arange(seq_len)
    pos_emb = jnp.take(pos_table, positions, axis=0)[None, :, :]  # (1, S, D)
    emb = tok_emb + pos_emb
    # LayerNorm over last dim
    mean = jnp.mean(emb, axis=-1, keepdims=True)
    var = jnp.mean((emb - mean) ** 2, axis=-1, keepdims=True)
    normed = (emb - mean) / jnp.sqrt(var + LN_EPS)
    out = normed * ln_gamma + ln_beta
    # dropout is identity in eval mode
    return out

if __name__ == "__main__":
    import jax
    _d = setup_inputs()
    print(jax.jit(kernel)(*tuple(_d.values())))

</pallas_src>

<mosaic_0001>
#map = affine_map<(d0, d1) -> (0, 0)>
#map1 = affine_map<(d0, d1) -> (0)>
module attributes {stable_mosaic.version = 14 : i64} {
  func.func @body(%arg0: i32, %arg1: i32, %arg2: memref<4096x200xi32, #tpu.memory_space<hbm>>, %arg3: memref<1000000x64xf32, #tpu.memory_space<hbm>>, %arg4: memref<200x64xf32, #tpu.memory_space<hbm>>, %arg5: memref<64xf32, #tpu.memory_space<hbm>>, %arg6: memref<64xf32, #tpu.memory_space<hbm>>, %arg7: memref<819200x64xf32, #tpu.memory_space<hbm>>, %arg8: memref<128x200xi32, #tpu.memory_space<vmem>>, %arg9: memref<200x64xf32, #tpu.memory_space<vmem>>, %arg10: memref<200x64xf32, #tpu.memory_space<vmem>>, %arg11: memref<200x64xf32, #tpu.memory_space<vmem>>, %arg12: memref<200x64xf32, #tpu.memory_space<vmem>>, %arg13: memref<200x64xf32, #tpu.memory_space<vmem>>, %arg14: memref<64xf32, #tpu.memory_space<vmem>>, %arg15: memref<64xf32, #tpu.memory_space<vmem>>, %arg16: memref<!tpu.dma_semaphore, #tpu.memory_space<semaphore_mem>>, %arg17: memref<!tpu.dma_semaphore, #tpu.memory_space<semaphore_mem>>, %arg18: memref<!tpu.dma_semaphore, #tpu.memory_space<semaphore_mem>>, %arg19: memref<!tpu.dma_semaphore, #tpu.memory_space<semaphore_mem>>) attributes {dimension_semantics = [#tpu.dimension_semantics<core_parallel>, #tpu.dimension_semantics<subcore_parallel>], iteration_bounds = array<i64: 2, 16>, scalar_prefetch = 0 : i64, scratch_operands = 12 : i64, tpu.core_type = #tpu.core_type<sc_vector_subcore>, window_params = [{transform_indices = #map}, {transform_indices = #map}, {transform_indices = #map}, {transform_indices = #map1}, {transform_indices = #map1}, {transform_indices = #map}]} {
    %mul3A = arith.constant 2 : i32
    %mul3A_0 = arith.muli %arg1, %mul3A : i32
    %add3A = arith.addi %mul3A_0, %arg0 : i32
    %mul3A_1 = arith.constant 128 : i32
    %mul3A_2 = arith.muli %add3A, %mul3A_1 : i32
    "tpu.region"() ({
      %run_scoped3A = tpu.sem_alloc : memref<!tpu.dma_semaphore, #tpu.memory_space<semaphore_mem>>
      tpu.enqueue_dma source(%arg4 : memref<200x64xf32, #tpu.memory_space<hbm>>) target(%arg13 : memref<200x64xf32, #tpu.memory_space<vmem>>) target_semaphore(%run_scoped3A : memref<!tpu.dma_semaphore, #tpu.memory_space<semaphore_mem>>)
      tpu.wait_dma2 semaphore(%run_scoped3A : memref<!tpu.dma_semaphore, #tpu.memory_space<semaphore_mem>>) src(%arg4 : memref<200x64xf32, #tpu.memory_space<hbm>>) dst(%arg13 : memref<200x64xf32, #tpu.memory_space<vmem>>)
      tpu.yield
    }) : () -> ()
    "tpu.region"() ({
      %run_scoped3A = tpu.sem_alloc : memref<!tpu.dma_semaphore, #tpu.memory_space<semaphore_mem>>
      tpu.enqueue_dma source(%arg5 : memref<64xf32, #tpu.memory_space<hbm>>) target(%arg14 : memref<64xf32, #tpu.memory_space<vmem>>) target_semaphore(%run_scoped3A : memref<!tpu.dma_semaphore, #tpu.memory_space<semaphore_mem>>)
      tpu.wait_dma2 semaphore(%run_scoped3A : memref<!tpu.dma_semaphore, #tpu.memory_space<semaphore_mem>>) src(%arg5 : memref<64xf32, #tpu.memory_space<hbm>>) dst(%arg14 : memref<64xf32, #tpu.memory_space<vmem>>)
      tpu.yield
    }) : () -> ()
    "tpu.region"() ({
      %run_scoped3A = tpu.sem_alloc : memref<!tpu.dma_semaphore, #tpu.memory_space<semaphore_mem>>
      tpu.enqueue_dma source(%arg6 : memref<64xf32, #tpu.memory_space<hbm>>) target(%arg15 : memref<64xf32, #tpu.memory_space<vmem>>) target_semaphore(%run_scoped3A : memref<!tpu.dma_semaphore, #tpu.memory_space<semaphore_mem>>)
      tpu.wait_dma2 semaphore(%run_scoped3A : memref<!tpu.dma_semaphore, #tpu.memory_space<semaphore_mem>>) src(%arg6 : memref<64xf32, #tpu.memory_space<hbm>>) dst(%arg15 : memref<64xf32, #tpu.memory_space<vmem>>)
      tpu.yield
    }) : () -> ()
    "tpu.region"() ({
      %run_scoped3A = tpu.sem_alloc : memref<!tpu.dma_semaphore, #tpu.memory_space<semaphore_mem>>
      %dma_start3A_47 = arith.constant 0 : i32
      %dma_start3A_48 = tpu.memref_slice %arg2[%mul3A_2, %dma_start3A_47] : memref<4096x200xi32, #tpu.memory_space<hbm>> -> memref<128x200xi32, #tpu.memory_space<hbm>>
      %dma_start3A_49 = arith.constant 0 : i32
      %dma_start3A_50 = tpu.memref_slice %arg2[%mul3A_2, %dma_start3A_49] : memref<4096x200xi32, #tpu.memory_space<hbm>> -> memref<128x200xi32, #tpu.memory_space<hbm>>
      tpu.enqueue_dma source(%dma_start3A_50 : memref<128x200xi32, #tpu.memory_space<hbm>>) target(%arg8 : memref<128x200xi32, #tpu.memory_space<vmem>>) target_semaphore(%run_scoped3A : memref<!tpu.dma_semaphore, #tpu.memory_space<semaphore_mem>>)
      %dma_wait3A_51 = arith.constant 0 : i32
      %dma_wait3A_52 = tpu.memref_slice %arg2[%mul3A_2, %dma_wait3A_51] : memref<4096x200xi32, #tpu.memory_space<hbm>> -> memref<128x200xi32, #tpu.memory_space<hbm>>
      %dma_wait3A_53 = arith.constant 0 : i32
      %dma_wait3A_54 = tpu.memref_slice %arg2[%mul3A_2, %dma_wait3A_53] : memref<4096x200xi32, #tpu.memory_space<hbm>> -> memref<128x200xi32, #tpu.memory_space<hbm>>
      tpu.wait_dma2 semaphore(%run_scoped3A : memref<!tpu.dma_semaphore, #tpu.memory_space<semaphore_mem>>) src(%dma_wait3A_54 : memref<128x200xi32, #tpu.memory_space<hbm>>) dst(%arg8 : memref<128x200xi32, #tpu.memory_space<vmem>>)
      tpu.yield
    }) : () -> ()
    %get3A = arith.constant 0 : index
    %get3A_3 = tpu.vector_load %arg14[%get3A] {strides = array<i32>} : memref<64xf32, #tpu.memory_space<vmem>>, vector<16xf32>,
    %get3A_4 = arith.constant 16 : index
    %get3A_5 = tpu.vector_load %arg14[%get3A_4] {strides = array<i32>} : memref<64xf32, #tpu.memory_space<vmem>>, vector<16xf32>,
    %get3A_6 = arith.constant 32 : index
    %get3A_7 = tpu.vector_load %arg14[%get3A_6] {strides = array<i32>} : memref<64xf32, #tpu.memory_space<vmem>>, vector<16xf32>,
    %get3A_8 = arith.constant 48 : index
    %get3A_9 = tpu.vector_load %arg14[%get3A_8] {strides = array<i32>} : memref<64xf32, #tpu.memory_space<vmem>>, vector<16xf32>,
    %get3A_10 = arith.constant 0 : index
    %get3A_11 = tpu.vector_load %arg15[%get3A_10] {strides = array<i32>} : memref<64xf32, #tpu.memory_space<vmem>>, vector<16xf32>,
    %get3A_12 = arith.constant 16 : index
    %get3A_13 = tpu.vector_load %arg15[%get3A_12] {strides = array<i32>} : memref<64xf32, #tpu.memory_space<vmem>>, vector<16xf32>,
    %get3A_14 = arith.constant 32 : index
    %get3A_15 = tpu.vector_load %arg15[%get3A_14] {strides = array<i32>} : memref<64xf32, #tpu.memory_space<vmem>>, vector<16xf32>,
    %get3A_16 = arith.constant 48 : index
    %get3A_17 = tpu.vector_load %arg15[%get3A_16] {strides = array<i32>} : memref<64xf32, #tpu.memory_space<vmem>>, vector<16xf32>,
    %dma_start3A = arith.constant 0 : i32
    %dma_start3A_18 = arith.constant 0 : i32
    %dma_start3A_19 = tpu.memref_slice %arg8[%dma_start3A, %dma_start3A_18] : memref<128x200xi32, #tpu.memory_space<vmem>> -> memref<1x200xi32, #tpu.memory_space<vmem>>
    %dma_start3A_20 = tpu.memref_squeeze %dma_start3A_19 : memref<1x200xi32, #tpu.memory_space<vmem>> -> memref<200xi32, #tpu.memory_space<vmem>>
    %dma_start3A_21 = arith.constant 0 : i32
    %dma_start3A_22 = arith.constant 0 : i32
    %dma_start3A_23 = tpu.memref_slice %arg3[%dma_start3A_21, %dma_start3A_22] : memref<1000000x64xf32, #tpu.memory_space<hbm>> -> memref<1000000x64xf32, #tpu.memory_space<hbm>>
    tpu.enqueue_indirect_dma source(%dma_start3A_23 : memref<1000000x64xf32, #tpu.memory_space<hbm>>) target(%arg9 : memref<200x64xf32, #tpu.memory_space<vmem>>) offsets(%dma_start3A_20 : memref<200xi32, #tpu.memory_space<vmem>>) semaphore(%arg16 : memref<!tpu.dma_semaphore, #tpu.memory_space<semaphore_mem>>)
    %dma_start3A_24 = arith.constant 1 : i32
    %dma_start3A_25 = arith.constant 0 : i32
    %dma_start3A_26 = tpu.memref_slice %arg8[%dma_start3A_24, %dma_start3A_25] : memref<128x200xi32, #tpu.memory_space<vmem>> -> memref<1x200xi32, #tpu.memory_space<vmem>>
    %dma_start3A_27 = tpu.memref_squeeze %dma_start3A_26 : memref<1x200xi32, #tpu.memory_space<vmem>> -> memref<200xi32, #tpu.memory_space<vmem>>
    %dma_start3A_28 = arith.constant 0 : i32
    %dma_start3A_29 = arith.constant 0 : i32
    %dma_start3A_30 = tpu.memref_slice %arg3[%dma_start3A_28, %dma_start3A_29] : memref<1000000x64xf32, #tpu.memory_space<hbm>> -> memref<1000000x64xf32, #tpu.memory_space<hbm>>
    tpu.enqueue_indirect_dma source(%dma_start3A_30 : memref<1000000x64xf32, #tpu.memory_space<hbm>>) target(%arg10 : memref<200x64xf32, #tpu.memory_space<vmem>>) offsets(%dma_start3A_27 : memref<200xi32, #tpu.memory_space<vmem>>) semaphore(%arg17 : memref<!tpu.dma_semaphore, #tpu.memory_space<semaphore_mem>>)
    %scan3A = arith.constant 0 : i32
    %scan3A_31 = arith.constant 0 : i32
    %scan3A_32 = arith.constant 64 : i32
    %scan3A_33 = arith.addi %scan3A_31, %scan3A_32 : i32
    %scan3A_34 = arith.constant 1 : i32
    scf.for %scan3A_47 = %scan3A_31 to %scan3A_33 step %scan3A_34  : i32 {
      %mul3A_48 = arith.constant 2 : i32
      %mul3A_49 = arith.muli %mul3A_48, %scan3A_47 : i32
      %add3A_50 = arith.constant 0 : i32
      %add3A_51 = arith.addi %mul3A_49, %add3A_50 : i32
      %dma_wait3A_52 = arith.constant 0 : i32
      %dma_wait3A_53 = arith.constant 0 : i32
      %dma_wait3A_54 = tpu.memref_slice %arg8[%dma_wait3A_52, %dma_wait3A_53] : memref<128x200xi32, #tpu.memory_space<vmem>> -> memref<1x200xi32, #tpu.memory_space<vmem>>
      %dma_wait3A_55 = tpu.memref_squeeze %dma_wait3A_54 : memref<1x200xi32, #tpu.memory_space<vmem>> -> memref<200xi32, #tpu.memory_space<vmem>>
      %dma_wait3A_56 = arith.constant 0 : i32
      %dma_wait3A_57 = arith.constant 0 : i32
      %dma_wait3A_58 = tpu.memref_slice %arg3[%dma_wait3A_56, %dma_wait3A_57] : memref<1000000x64xf32, #tpu.memory_space<hbm>> -> memref<1000000x64xf32, #tpu.memory_space<hbm>>
      tpu.wait_indirect_dma semaphore(%arg16 : memref<!tpu.dma_semaphore, #tpu.memory_space<semaphore_mem>>) src(%dma_wait3A_58 : memref<1000000x64xf32, #tpu.memory_space<hbm>>) dst(%arg9 : memref<200x64xf32, #tpu.memory_space<vmem>>)
      %ge3A = arith.constant 2 : i32
      %ge3A_59 = arith.cmpi sge, %add3A_51, %ge3A : i32
      %convert_element_type3A = arith.extui %ge3A_59 : i1 to i32
      %cond3A = arith.constant 0 : i32
      %cond3A_60 = arith.cmpi ne, %convert_element_type3A, %cond3A : i32
      scf.if %cond3A_60 {
        %dma_wait3A_107 = arith.constant 0 : i32
        %dma_wait3A_108 = arith.constant 0 : i32
        %dma_wait3A_109 = tpu.memref_slice %arg7[%dma_wait3A_107, %dma_wait3A_108] : memref<819200x64xf32, #tpu.memory_space<hbm>> -> memref<200x64xf32, #tpu.memory_space<hbm>>
        %dma_wait3A_110 = arith.constant 0 : i32
        %dma_wait3A_111 = arith.constant 0 : i32
        %dma_wait3A_112 = tpu.memref_slice %arg7[%dma_wait3A_110, %dma_wait3A_111] : memref<819200x64xf32, #tpu.memory_space<hbm>> -> memref<200x64xf32, #tpu.memory_space<hbm>>
        tpu.wait_dma2 semaphore(%arg18 : memref<!tpu.dma_semaphore, #tpu.memory_space<semaphore_mem>>) src(%arg11 : memref<200x64xf32, #tpu.memory_space<vmem>>) dst(%dma_wait3A_112 : memref<200x64xf32, #tpu.memory_space<hbm>>)
      } else {
      }
      %parallel_loop3A = arith.constant 0 : i32
      %parallel_loop3A_61 = arith.constant 200 : i32
      %parallel_loop3A_62 = arith.constant 1 : i32
      scf.for %parallel_loop3A_107 = %parallel_loop3A to %parallel_loop3A_61 step %parallel_loop3A_62  : i32 {
        %parallel_loop3A_108 = arith.index_cast %parallel_loop3A_107 : i32 to index
        %parallel_loop3A_109 = arith.constant 0 : index
        %parallel_loop3A_110 = tpu.vector_load %arg9[%parallel_loop3A_108, %parallel_loop3A_109] {strides = array<i32>} : memref<200x64xf32, #tpu.memory_space<vmem>>, vector<16xf32>,
        %parallel_loop3A_111 = arith.index_cast %parallel_loop3A_107 : i32 to index
        %parallel_loop3A_112 = arith.constant 0 : index
        %parallel_loop3A_113 = tpu.vector_load %arg13[%parallel_loop3A_111, %parallel_loop3A_112] {strides = array<i32>} : memref<200x64xf32, #tpu.memory_space<vmem>>, vector<16xf32>,
        %parallel_loop3A_114 = arith.addf %parallel_loop3A_110, %parallel_loop3A_113 : vector<16xf32>
        %parallel_loop3A_115 = arith.index_cast %parallel_loop3A_107 : i32 to index
        %parallel_loop3A_116 = arith.constant 16 : index
        %parallel_loop3A_117 = tpu.vector_load %arg9[%parallel_loop3A_115, %parallel_loop3A_116] {strides = array<i32>} : memref<200x64xf32, #tpu.memory_space<vmem>>, vector<16xf32>,
        %parallel_loop3A_118 = arith.index_cast %parallel_loop3A_107 : i32 to index
        %parallel_loop3A_119 = arith.constant 16 : index
        %parallel_loop3A_120 = tpu.vector_load %arg13[%parallel_loop3A_118, %parallel_loop3A_119] {strides = array<i32>} : memref<200x64xf32, #tpu.memory_space<vmem>>, vector<16xf32>,
        %parallel_loop3A_121 = arith.addf %parallel_loop3A_117, %parallel_loop3A_120 : vector<16xf32>
        %parallel_loop3A_122 = arith.index_cast %parallel_loop3A_107 : i32 to index
        %parallel_loop3A_123 = arith.constant 32 : index
        %parallel_loop3A_124 = tpu.vector_load %arg9[%parallel_loop3A_122, %parallel_loop3A_123] {strides = array<i32>} : memref<200x64xf32, #tpu.memory_space<vmem>>, vector<16xf32>,
        %parallel_loop3A_125 = arith.index_cast %parallel_loop3A_107 : i32 to index
        %parallel_loop3A_126 = arith.constant 32 : index
        %parallel_loop3A_127 = tpu.vector_load %arg13[%parallel_loop3A_125, %parallel_loop3A_126] {strides = array<i32>} : memref<200x64xf32, #tpu.memory_space<vmem>>, vector<16xf32>,
        %parallel_loop3A_128 = arith.addf %parallel_loop3A_124, %parallel_loop3A_127 : vector<16xf32>
        %parallel_loop3A_129 = arith.index_cast %parallel_loop3A_107 : i32 to index
        %parallel_loop3A_130 = arith.constant 48 : index
        %parallel_loop3A_131 = tpu.vector_load %arg9[%parallel_loop3A_129, %parallel_loop3A_130] {strides = array<i32>} : memref<200x64xf32, #tpu.memory_space<vmem>>, vector<16xf32>,
        %parallel_loop3A_132 = arith.index_cast %parallel_loop3A_107 : i32 to index
        %parallel_loop3A_133 = arith.constant 48 : index
        %parallel_loop3A_134 = tpu.vector_load %arg13[%parallel_loop3A_132, %parallel_loop3A_133] {strides = array<i32>} : memref<200x64xf32, #tpu.memory_space<vmem>>, vector<16xf32>,
        %parallel_loop3A_135 = arith.addf %parallel_loop3A_131, %parallel_loop3A_134 : vector<16xf32>
        %parallel_loop3A_136 = arith.addf %parallel_loop3A_114, %parallel_loop3A_121 : vector<16xf32>
        %parallel_loop3A_137 = arith.addf %parallel_loop3A_128, %parallel_loop3A_135 : vector<16xf32>
        %parallel_loop3A_138 = arith.addf %parallel_loop3A_136, %parallel_loop3A_137 : vector<16xf32>
        %parallel_loop3A_139 = arith.mulf %parallel_loop3A_114, %parallel_loop3A_114 : vector<16xf32>
        %parallel_loop3A_140 = arith.mulf %parallel_loop3A_121, %parallel_loop3A_121 : vector<16xf32>
        %parallel_loop3A_141 = arith.mulf %parallel_loop3A_128, %parallel_loop3A_128 : vector<16xf32>
        %parallel_loop3A_142 = arith.mulf %parallel_loop3A_135, %parallel_loop3A_135 : vector<16xf32>
        %parallel_loop3A_143 = arith.addf %parallel_loop3A_139, %parallel_loop3A_140 : vector<16xf32>
        %parallel_loop3A_144 = arith.addf %parallel_loop3A_141, %parallel_loop3A_142 : vector<16xf32>
        %parallel_loop3A_145 = arith.addf %parallel_loop3A_143, %parallel_loop3A_144 : vector<16xf32>
        %parallel_loop3A_146 = arith.constant true
        %parallel_loop3A_147 = vector.broadcast %parallel_loop3A_146 : i1 to vector<16xi1>
        %parallel_loop3A_148 = tpu.scan <sum>, %parallel_loop3A_138 masked %parallel_loop3A_147 : vector<16xf32>, vector<16xi1> -> vector<16xf32>
        %parallel_loop3A_149 = vector.extract %parallel_loop3A_148[15] : f32 from vector<16xf32>
        %parallel_loop3A_150 = vector.broadcast %parallel_loop3A_149 : f32 to vector<16xf32>
        %parallel_loop3A_151 = arith.constant true
        %parallel_loop3A_152 = vector.broadcast %parallel_loop3A_151 : i1 to vector<16xi1>
        %parallel_loop3A_153 = tpu.scan <sum>, %parallel_loop3A_145 masked %parallel_loop3A_152 : vector<16xf32>, vector<16xi1> -> vector<16xf32>
        %parallel_loop3A_154 = vector.extract %parallel_loop3A_153[15] : f32 from vector<16xf32>
        %parallel_loop3A_155 = vector.broadcast %parallel_loop3A_154 : f32 to vector<16xf32>
        %parallel_loop3A_156 = arith.constant 1.562500e-02 : f32
        %parallel_loop3A_157 = vector.broadcast %parallel_loop3A_156 : f32 to vector<16xf32>
        %parallel_loop3A_158 = arith.mulf %parallel_loop3A_150, %parallel_loop3A_157 : vector<16xf32>
        %parallel_loop3A_159 = arith.constant 1.562500e-02 : f32
        %parallel_loop3A_160 = vector.broadcast %parallel_loop3A_159 : f32 to vector<16xf32>
        %parallel_loop3A_161 = arith.mulf %parallel_loop3A_155, %parallel_loop3A_160 : vector<16xf32>
        %parallel_loop3A_162 = arith.mulf %parallel_loop3A_158, %parallel_loop3A_158 : vector<16xf32>
        %parallel_loop3A_163 = arith.subf %parallel_loop3A_161, %parallel_loop3A_162 : vector<16xf32>
        %parallel_loop3A_164 = arith.constant 9.99999974E-6 : f32
        %parallel_loop3A_165 = vector.broadcast %parallel_loop3A_164 : f32 to vector<16xf32>
        %parallel_loop3A_166 = arith.addf %parallel_loop3A_163, %parallel_loop3A_165 : vector<16xf32>
        %parallel_loop3A_167 = vector.bitcast %parallel_loop3A_166 : vector<16xf32> to vector<16xi32>
        %parallel_loop3A_168 = arith.constant 1 : i32
        %parallel_loop3A_169 = vector.broadcast %parallel_loop3A_168 : i32 to vector<16xi32>
        %parallel_loop3A_170 = arith.shrsi %parallel_loop3A_167, %parallel_loop3A_169 : vector<16xi32>
        %parallel_loop3A_171 = arith.constant 1597463007 : i32
        %parallel_loop3A_172 = vector.broadcast %parallel_loop3A_171 : i32 to vector<16xi32>
        %parallel_loop3A_173 = arith.subi %parallel_loop3A_172, %parallel_loop3A_170 : vector<16xi32>
        %parallel_loop3A_174 = vector.bitcast %parallel_loop3A_173 : vector<16xi32> to vector<16xf32>
        %parallel_loop3A_175 = arith.constant 5.000000e-01 : f32
        %parallel_loop3A_176 = vector.broadcast %parallel_loop3A_175 : f32 to vector<16xf32>
        %parallel_loop3A_177 = arith.mulf %parallel_loop3A_166, %parallel_loop3A_176 : vector<16xf32>
        %parallel_loop3A_178 = arith.mulf %parallel_loop3A_177, %parallel_loop3A_174 : vector<16xf32>
        %parallel_loop3A_179 = arith.mulf %parallel_loop3A_178, %parallel_loop3A_174 : vector<16xf32>
        %parallel_loop3A_180 = arith.constant 1.500000e+00 : f32
        %parallel_loop3A_181 = vector.broadcast %parallel_loop3A_180 : f32 to vector<16xf32>
        %parallel_loop3A_182 = arith.subf %parallel_loop3A_181, %parallel_loop3A_179 : vector<16xf32>
        %parallel_loop3A_183 = arith.mulf %parallel_loop3A_174, %parallel_loop3A_182 : vector<16xf32>
        %parallel_loop3A_184 = arith.mulf %parallel_loop3A_177, %parallel_loop3A_183 : vector<16xf32>
        %parallel_loop3A_185 = arith.mulf %parallel_loop3A_184, %parallel_loop3A_183 : vector<16xf32>
        %parallel_loop3A_186 = arith.constant 1.500000e+00 : f32
        %parallel_loop3A_187 = vector.broadcast %parallel_loop3A_186 : f32 to vector<16xf32>
        %parallel_loop3A_188 = arith.subf %parallel_loop3A_187, %parallel_loop3A_185 : vector<16xf32>
        %parallel_loop3A_189 = arith.mulf %parallel_loop3A_183, %parallel_loop3A_188 : vector<16xf32>
        %parallel_loop3A_190 = arith.mulf %parallel_loop3A_177, %parallel_loop3A_189 : vector<16xf32>
        %parallel_loop3A_191 = arith.mulf %parallel_loop3A_190, %parallel_loop3A_189 : vector<16xf32>
        %parallel_loop3A_192 = arith.constant 1.500000e+00 : f32
        %parallel_loop3A_193 = vector.broadcast %parallel_loop3A_192 : f32 to vector<16xf32>
        %parallel_loop3A_194 = arith.subf %parallel_loop3A_193, %parallel_loop3A_191 : vector<16xf32>
        %parallel_loop3A_195 = arith.mulf %parallel_loop3A_189, %parallel_loop3A_194 : vector<16xf32>
        %parallel_loop3A_196 = arith.subf %parallel_loop3A_114, %parallel_loop3A_158 : vector<16xf32>
        %parallel_loop3A_197 = arith.mulf %parallel_loop3A_195, %get3A_3 : vector<16xf32>
        %parallel_loop3A_198 = arith.mulf %parallel_loop3A_196, %parallel_loop3A_197 : vector<16xf32>
        %parallel_loop3A_199 = arith.addf %parallel_loop3A_198, %get3A_11 : vector<16xf32>
        %parallel_loop3A_200 = arith.index_cast %parallel_loop3A_107 : i32 to index
        %parallel_loop3A_201 = arith.constant 0 : index
        %parallel_loop3A_202 = tpu.vector_load %arg11[%parallel_loop3A_200, %parallel_loop3A_201] {strides = array<i32>} : memref<200x64xf32, #tpu.memory_space<vmem>>, vector<16xf32>,
        tpu.vector_store %arg11[%parallel_loop3A_200, %parallel_loop3A_201], %parallel_loop3A_199 {strides = array<i32>} : memref<200x64xf32, #tpu.memory_space<vmem>>, vector<16xf32>,
        %parallel_loop3A_203 = arith.subf %parallel_loop3A_121, %parallel_loop3A_158 : vector<16xf32>
        %parallel_loop3A_204 = arith.mulf %parallel_loop3A_195, %get3A_5 : vector<16xf32>
        %parallel_loop3A_205 = arith.mulf %parallel_loop3A_203, %parallel_loop3A_204 : vector<16xf32>
        %parallel_loop3A_206 = arith.addf %parallel_loop3A_205, %get3A_13 : vector<16xf32>
        %parallel_loop3A_207 = arith.index_cast %parallel_loop3A_107 : i32 to index
        %parallel_loop3A_208 = arith.constant 16 : index
        %parallel_loop3A_209 = tpu.vector_load %arg11[%parallel_loop3A_207, %parallel_loop3A_208] {strides = array<i32>} : memref<200x64xf32, #tpu.memory_space<vmem>>, vector<16xf32>,
        tpu.vector_store %arg11[%parallel_loop3A_207, %parallel_loop3A_208], %parallel_loop3A_206 {strides = array<i32>} : memref<200x64xf32, #tpu.memory_space<vmem>>, vector<16xf32>,
        %parallel_loop3A_210 = arith.subf %parallel_loop3A_128, %parallel_loop3A_158 : vector<16xf32>
        %parallel_loop3A_211 = arith.mulf %parallel_loop3A_195, %get3A_7 : vector<16xf32>
        %parallel_loop3A_212 = arith.mulf %parallel_loop3A_210, %parallel_loop3A_211 : vector<16xf32>
        %parallel_loop3A_213 = arith.addf %parallel_loop3A_212, %get3A_15 : vector<16xf32>
        %parallel_loop3A_214 = arith.index_cast %parallel_loop3A_107 : i32 to index
        %parallel_loop3A_215 = arith.constant 32 : index
        %parallel_loop3A_216 = tpu.vector_load %arg11[%parallel_loop3A_214, %parallel_loop3A_215] {strides = array<i32>} : memref<200x64xf32, #tpu.memory_space<vmem>>, vector<16xf32>,
        tpu.vector_store %arg11[%parallel_loop3A_214, %parallel_loop3A_215], %parallel_loop3A_213 {strides = array<i32>} : memref<200x64xf32, #tpu.memory_space<vmem>>, vector<16xf32>,
        %parallel_loop3A_217 = arith.subf %parallel_loop3A_135, %parallel_loop3A_158 : vector<16xf32>
        %parallel_loop3A_218 = arith.mulf %parallel_loop3A_195, %get3A_9 : vector<16xf32>
        %parallel_loop3A_219 = arith.mulf %parallel_loop3A_217, %parallel_loop3A_218 : vector<16xf32>
        %parallel_loop3A_220 = arith.addf %parallel_loop3A_219, %get3A_17 : vector<16xf32>
        %parallel_loop3A_221 = arith.index_cast %parallel_loop3A_107 : i32 to index
        %parallel_loop3A_222 = arith.constant 48 : index
        %parallel_loop3A_223 = tpu.vector_load %arg11[%parallel_loop3A_221, %parallel_loop3A_222] {strides = array<i32>} : memref<200x64xf32, #tpu.memory_space<vmem>>, vector<16xf32>,
        tpu.vector_store %arg11[%parallel_loop3A_221, %parallel_loop3A_222], %parallel_loop3A_220 {strides = array<i32>} : memref<200x64xf32, #tpu.memory_space<vmem>>, vector<16xf32>,
      } {sc.loop_unroll_factor = 8 : i64, sc.parallel_access}
      %add3A_63 = arith.addi %mul3A_2, %add3A_51 : i32
      %mul3A_64 = arith.constant 200 : i32
      %mul3A_65 = arith.muli %add3A_63, %mul3A_64 : i32
      %dma_start3A_66 = arith.constant 0 : i32
      %dma_start3A_67 = tpu.memref_slice %arg7[%mul3A_65, %dma_start3A_66] : memref<819200x64xf32, #tpu.memory_space<hbm>> -> memref<200x64xf32, #tpu.memory_space<hbm>>
      %dma_start3A_68 = arith.constant 0 : i32
      %dma_start3A_69 = tpu.memref_slice %arg7[%mul3A_65, %dma_start3A_68] : memref<819200x64xf32, #tpu.memory_space<hbm>> -> memref<200x64xf32, #tpu.memory_space<hbm>>
      tpu.enqueue_dma source(%arg11 : memref<200x64xf32, #tpu.memory_space<vmem>>) target(%dma_start3A_69 : memref<200x64xf32, #tpu.memory_space<hbm>>) target_semaphore(%arg18 : memref<!tpu.dma_semaphore, #tpu.memory_space<semaphore_mem>>)
      %add3A_70 = arith.constant 2 : i32
      %add3A_71 = arith.addi %add3A_51, %add3A_70 : i32
      %lt3A = arith.constant 128 : i32
      %lt3A_72 = arith.cmpi slt, %add3A_71, %lt3A : i32
      %convert_element_type3A_73 = arith.extui %lt3A_72 : i1 to i32
      %cond3A_74 = arith.constant 0 : i32
      %cond3A_75 = arith.cmpi ne, %convert_element_type3A_73, %cond3A_74 : i32
      scf.if %cond3A_75 {
        %add3A_107 = arith.constant 2 : i32
        %add3A_108 = arith.addi %add3A_51, %add3A_107 : i32
        %dma_start3A_109 = arith.constant 0 : i32
        %dma_start3A_110 = tpu.memref_slice %arg8[%add3A_108, %dma_start3A_109] : memref<128x200xi32, #tpu.memory_space<vmem>> -> memref<1x200xi32, #tpu.memory_space<vmem>>
        %dma_start3A_111 = tpu.memref_squeeze %dma_start3A_110 : memref<1x200xi32, #tpu.memory_space<vmem>> -> memref<200xi32, #tpu.memory_space<vmem>>
        %dma_start3A_112 = arith.constant 0 : i32
        %dma_start3A_113 = arith.constant 0 : i32
        %dma_start3A_114 = tpu.memref_slice %arg3[%dma_start3A_112, %dma_start3A_113] : memref<1000000x64xf32, #tpu.memory_space<hbm>> -> memref<1000000x64xf32, #tpu.memory_space<hbm>>
        tpu.enqueue_indirect_dma source(%dma_start3A_114 : memref<1000000x64xf32, #tpu.memory_space<hbm>>) target(%arg9 : memref<200x64xf32, #tpu.memory_space<vmem>>) offsets(%dma_start3A_111 : memref<200xi32, #tpu.memory_space<vmem>>) semaphore(%arg16 : memref<!tpu.dma_semaphore, #tpu.memory_space<semaphore_mem>>)
      } else {
      }
      %add3A_76 = arith.constant 1 : i32
      %add3A_77 = arith.addi %mul3A_49, %add3A_76 : i32
      %dma_wait3A_78 = arith.constant 0 : i32
      %dma_wait3A_79 = arith.constant 0 : i32
      %dma_wait3A_80 = tpu.memref_slice %arg8[%dma_wait3A_78, %dma_wait3A_79] : memref<128x200xi32, #tpu.memory_space<vmem>> -> memref<1x200xi32, #tpu.memory_space<vmem>>
      %dma_wait3A_81 = tpu.memref_squeeze %dma_wait3A_80 : memref<1x200xi32, #tpu.memory_space<vmem>> -> memref<200xi32, #tpu.memory_space<vmem>>
      %dma_wait3A_82 = arith.constant 0 : i32
      %dma_wait3A_83 = arith.constant 0 : i32
      %dma_wait3A_84 = tpu.memref_slice %arg3[%dma_wait3A_82, %dma_wait3A_83] : memref<1000000x64xf32, #tpu.memory_space<hbm>> -> memref<1000000x64xf32, #tpu.memory_space<hbm>>
      tpu.wait_indirect_dma semaphore(%arg17 : memref<!tpu.dma_semaphore, #tpu.memory_space<semaphore_mem>>) src(%dma_wait3A_84 : memref<1000000x64xf32, #tpu.memory_space<hbm>>) dst(%arg10 : memref<200x64xf32, #tpu.memory_space<vmem>>)
      %ge3A_85 = arith.constant 2 : i32
      %ge3A_86 = arith.cmpi sge, %add3A_77, %ge3A_85 : i32
      %convert_element_type3A_87 = arith.extui %ge3A_86 : i1 to i32
      %cond3A_88 = arith.constant 0 : i32
      %cond3A_89 = arith.cmpi ne, %convert_element_type3A_87, %cond3A_88 : i32
      scf.if %cond3A_89 {
        %dma_wait3A_107 = arith.constant 0 : i32
        %dma_wait3A_108 = arith.constant 0 : i32
        %dma_wait3A_109 = tpu.memref_slice %arg7[%dma_wait3A_107, %dma_wait3A_108] : memref<819200x64xf32, #tpu.memory_space<hbm>> -> memref<200x64xf32, #tpu.memory_space<hbm>>
        %dma_wait3A_110 = arith.constant 0 : i32
        %dma_wait3A_111 = arith.constant 0 : i32
        %dma_wait3A_112 = tpu.memref_slice %arg7[%dma_wait3A_110, %dma_wait3A_111] : memref<819200x64xf32, #tpu.memory_space<hbm>> -> memref<200x64xf32, #tpu.memory_space<hbm>>
        tpu.wait_dma2 semaphore(%arg19 : memref<!tpu.dma_semaphore, #tpu.memory_space<semaphore_mem>>) src(%arg12 : memref<200x64xf32, #tpu.memory_space<vmem>>) dst(%dma_wait3A_112 : memref<200x64xf32, #tpu.memory_space<hbm>>)
      } else {
      }
      %parallel_loop3A_90 = arith.constant 0 : i32
      %parallel_loop3A_91 = arith.constant 200 : i32
      %parallel_loop3A_92 = arith.constant 1 : i32
      scf.for %parallel_loop3A_107 = %parallel_loop3A_90 to %parallel_loop3A_91 step %parallel_loop3A_92  : i32 {
        %parallel_loop3A_108 = arith.index_cast %parallel_loop3A_107 : i32 to index
        %parallel_loop3A_109 = arith.constant 0 : index
        %parallel_loop3A_110 = tpu.vector_load %arg10[%parallel_loop3A_108, %parallel_loop3A_109] {strides = array<i32>} : memref<200x64xf32, #tpu.memory_space<vmem>>, vector<16xf32>,
        %parallel_loop3A_111 = arith.index_cast %parallel_loop3A_107 : i32 to index
        %parallel_loop3A_112 = arith.constant 0 : index
        %parallel_loop3A_113 = tpu.vector_load %arg13[%parallel_loop3A_111, %parallel_loop3A_112] {strides = array<i32>} : memref<200x64xf32, #tpu.memory_space<vmem>>, vector<16xf32>,
        %parallel_loop3A_114 = arith.addf %parallel_loop3A_110, %parallel_loop3A_113 : vector<16xf32>
        %parallel_loop3A_115 = arith.index_cast %parallel_loop3A_107 : i32 to index
        %parallel_loop3A_116 = arith.constant 16 : index
        %parallel_loop3A_117 = tpu.vector_load %arg10[%parallel_loop3A_115, %parallel_loop3A_116] {strides = array<i32>} : memref<200x64xf32, #tpu.memory_space<vmem>>, vector<16xf32>,
        %parallel_loop3A_118 = arith.index_cast %parallel_loop3A_107 : i32 to index
        %parallel_loop3A_119 = arith.constant 16 : index
        %parallel_loop3A_120 = tpu.vector_load %arg13[%parallel_loop3A_118, %parallel_loop3A_119] {strides = array<i32>} : memref<200x64xf32, #tpu.memory_space<vmem>>, vector<16xf32>,
        %parallel_loop3A_121 = arith.addf %parallel_loop3A_117, %parallel_loop3A_120 : vector<16xf32>
        %parallel_loop3A_122 = arith.index_cast %parallel_loop3A_107 : i32 to index
        %parallel_loop3A_123 = arith.constant 32 : index
        %parallel_loop3A_124 = tpu.vector_load %arg10[%parallel_loop3A_122, %parallel_loop3A_123] {strides = array<i32>} : memref<200x64xf32, #tpu.memory_space<vmem>>, vector<16xf32>,
        %parallel_loop3A_125 = arith.index_cast %parallel_loop3A_107 : i32 to index
        %parallel_loop3A_126 = arith.constant 32 : index
        %parallel_loop3A_127 = tpu.vector_load %arg13[%parallel_loop3A_125, %parallel_loop3A_126] {strides = array<i32>} : memref<200x64xf32, #tpu.memory_space<vmem>>, vector<16xf32>,
        %parallel_loop3A_128 = arith.addf %parallel_loop3A_124, %parallel_loop3A_127 : vector<16xf32>
        %parallel_loop3A_129 = arith.index_cast %parallel_loop3A_107 : i32 to index
        %parallel_loop3A_130 = arith.constant 48 : index
        %parallel_loop3A_131 = tpu.vector_load %arg10[%parallel_loop3A_129, %parallel_loop3A_130] {strides = array<i32>} : memref<200x64xf32, #tpu.memory_space<vmem>>, vector<16xf32>,
        %parallel_loop3A_132 = arith.index_cast %parallel_loop3A_107 : i32 to index
        %parallel_loop3A_133 = arith.constant 48 : index
        %parallel_loop3A_134 = tpu.vector_load %arg13[%parallel_loop3A_132, %parallel_loop3A_133] {strides = array<i32>} : memref<200x64xf32, #tpu.memory_space<vmem>>, vector<16xf32>,
        %parallel_loop3A_135 = arith.addf %parallel_loop3A_131, %parallel_loop3A_134 : vector<16xf32>
        %parallel_loop3A_136 = arith.addf %parallel_loop3A_114, %parallel_loop3A_121 : vector<16xf32>
        %parallel_loop3A_137 = arith.addf %parallel_loop3A_128, %parallel_loop3A_135 : vector<16xf32>
        %parallel_loop3A_138 = arith.addf %parallel_loop3A_136, %parallel_loop3A_137 : vector<16xf32>
        %parallel_loop3A_139 = arith.mulf %parallel_loop3A_114, %parallel_loop3A_114 : vector<16xf32>
        %parallel_loop3A_140 = arith.mulf %parallel_loop3A_121, %parallel_loop3A_121 : vector<16xf32>
        %parallel_loop3A_141 = arith.mulf %parallel_loop3A_128, %parallel_loop3A_128 : vector<16xf32>
        %parallel_loop3A_142 = arith.mulf %parallel_loop3A_135, %parallel_loop3A_135 : vector<16xf32>
        %parallel_loop3A_143 = arith.addf %parallel_loop3A_139, %parallel_loop3A_140 : vector<16xf32>
        %parallel_loop3A_144 = arith.addf %parallel_loop3A_141, %parallel_loop3A_142 : vector<16xf32>
        %parallel_loop3A_145 = arith.addf %parallel_loop3A_143, %parallel_loop3A_144 : vector<16xf32>
        %parallel_loop3A_146 = arith.constant true
        %parallel_loop3A_147 = vector.broadcast %parallel_loop3A_146 : i1 to vector<16xi1>
        %parallel_loop3A_148 = tpu.scan <sum>, %parallel_loop3A_138 masked %parallel_loop3A_147 : vector<16xf32>, vector<16xi1> -> vector<16xf32>
        %parallel_loop3A_149 = vector.extract %parallel_loop3A_148[15] : f32 from vector<16xf32>
        %parallel_loop3A_150 = vector.broadcast %parallel_loop3A_149 : f32 to vector<16xf32>
        %parallel_loop3A_151 = arith.constant true
        %parallel_loop3A_152 = vector.broadcast %parallel_loop3A_151 : i1 to vector<16xi1>
        %parallel_loop3A_153 = tpu.scan <sum>, %parallel_loop3A_145 masked %parallel_loop3A_152 : vector<16xf32>, vector<16xi1> -> vector<16xf32>
        %parallel_loop3A_154 = vector.extract %parallel_loop3A_153[15] : f32 from vector<16xf32>
        %parallel_loop3A_155 = vector.broadcast %parallel_loop3A_154 : f32 to vector<16xf32>
        %parallel_loop3A_156 = arith.constant 1.562500e-02 : f32
        %parallel_loop3A_157 = vector.broadcast %parallel_loop3A_156 : f32 to vector<16xf32>
        %parallel_loop3A_158 = arith.mulf %parallel_loop3A_150, %parallel_loop3A_157 : vector<16xf32>
        %parallel_loop3A_159 = arith.constant 1.562500e-02 : f32
        %parallel_loop3A_160 = vector.broadcast %parallel_loop3A_159 : f32 to vector<16xf32>
        %parallel_loop3A_161 = arith.mulf %parallel_loop3A_155, %parallel_loop3A_160 : vector<16xf32>
        %parallel_loop3A_162 = arith.mulf %parallel_loop3A_158, %parallel_loop3A_158 : vector<16xf32>
        %parallel_loop3A_163 = arith.subf %parallel_loop3A_161, %parallel_loop3A_162 : vector<16xf32>
        %parallel_loop3A_164 = arith.constant 9.99999974E-6 : f32
        %parallel_loop3A_165 = vector.broadcast %parallel_loop3A_164 : f32 to vector<16xf32>
        %parallel_loop3A_166 = arith.addf %parallel_loop3A_163, %parallel_loop3A_165 : vector<16xf32>
        %parallel_loop3A_167 = vector.bitcast %parallel_loop3A_166 : vector<16xf32> to vector<16xi32>
        %parallel_loop3A_168 = arith.constant 1 : i32
        %parallel_loop3A_169 = vector.broadcast %parallel_loop3A_168 : i32 to vector<16xi32>
        %parallel_loop3A_170 = arith.shrsi %parallel_loop3A_167, %parallel_loop3A_169 : vector<16xi32>
        %parallel_loop3A_171 = arith.constant 1597463007 : i32
        %parallel_loop3A_172 = vector.broadcast %parallel_loop3A_171 : i32 to vector<16xi32>
        %parallel_loop3A_173 = arith.subi %parallel_loop3A_172, %parallel_loop3A_170 : vector<16xi32>
        %parallel_loop3A_174 = vector.bitcast %parallel_loop3A_173 : vector<16xi32> to vector<16xf32>
        %parallel_loop3A_175 = arith.constant 5.000000e-01 : f32
        %parallel_loop3A_176 = vector.broadcast %parallel_loop3A_175 : f32 to vector<16xf32>
        %parallel_loop3A_177 = arith.mulf %parallel_loop3A_166, %parallel_loop3A_176 : vector<16xf32>
        %parallel_loop3A_178 = arith.mulf %parallel_loop3A_177, %parallel_loop3A_174 : vector<16xf32>
        %parallel_loop3A_179 = arith.mulf %parallel_loop3A_178, %parallel_loop3A_174 : vector<16xf32>
        %parallel_loop3A_180 = arith.constant 1.500000e+00 : f32
        %parallel_loop3A_181 = vector.broadcast %parallel_loop3A_180 : f32 to vector<16xf32>
        %parallel_loop3A_182 = arith.subf %parallel_loop3A_181, %parallel_loop3A_179 : vector<16xf32>
        %parallel_loop3A_183 = arith.mulf %parallel_loop3A_174, %parallel_loop3A_182 : vector<16xf32>
        %parallel_loop3A_184 = arith.mulf %parallel_loop3A_177, %parallel_loop3A_183 : vector<16xf32>
        %parallel_loop3A_185 = arith.mulf %parallel_loop3A_184, %parallel_loop3A_183 : vector<16xf32>
        %parallel_loop3A_186 = arith.constant 1.500000e+00 : f32
        %parallel_loop3A_187 = vector.broadcast %parallel_loop3A_186 : f32 to vector<16xf32>
        %parallel_loop3A_188 = arith.subf %parallel_loop3A_187, %parallel_loop3A_185 : vector<16xf32>
        %parallel_loop3A_189 = arith.mulf %parallel_loop3A_183, %parallel_loop3A_188 : vector<16xf32>
        %parallel_loop3A_190 = arith.mulf %parallel_loop3A_177, %parallel_loop3A_189 : vector<16xf32>
        %parallel_loop3A_191 = arith.mulf %parallel_loop3A_190, %parallel_loop3A_189 : vector<16xf32>
        %parallel_loop3A_192 = arith.constant 1.500000e+00 : f32
        %parallel_loop3A_193 = vector.broadcast %parallel_loop3A_192 : f32 to vector<16xf32>
        %parallel_loop3A_194 = arith.subf %parallel_loop3A_193, %parallel_loop3A_191 : vector<16xf32>
        %parallel_loop3A_195 = arith.mulf %parallel_loop3A_189, %parallel_loop3A_194 : vector<16xf32>
        %parallel_loop3A_196 = arith.subf %parallel_loop3A_114, %parallel_loop3A_158 : vector<16xf32>
        %parallel_loop3A_197 = arith.mulf %parallel_loop3A_195, %get3A_3 : vector<16xf32>
        %parallel_loop3A_198 = arith.mulf %parallel_loop3A_196, %parallel_loop3A_197 : vector<16xf32>
        %parallel_loop3A_199 = arith.addf %parallel_loop3A_198, %get3A_11 : vector<16xf32>
        %parallel_loop3A_200 = arith.index_cast %parallel_loop3A_107 : i32 to index
        %parallel_loop3A_201 = arith.constant 0 : index
        %parallel_loop3A_202 = tpu.vector_load %arg12[%parallel_loop3A_200, %parallel_loop3A_201] {strides = array<i32>} : memref<200x64xf32, #tpu.memory_space<vmem>>, vector<16xf32>,
        tpu.vector_store %arg12[%parallel_loop3A_200, %parallel_loop3A_201], %parallel_loop3A_199 {strides = array<i32>} : memref<200x64xf32, #tpu.memory_space<vmem>>, vector<16xf32>,
        %parallel_loop3A_203 = arith.subf %parallel_loop3A_121, %parallel_loop3A_158 : vector<16xf32>
        %parallel_loop3A_204 = arith.mulf %parallel_loop3A_195, %get3A_5 : vector<16xf32>
        %parallel_loop3A_205 = arith.mulf %parallel_loop3A_203, %parallel_loop3A_204 : vector<16xf32>
        %parallel_loop3A_206 = arith.addf %parallel_loop3A_205, %get3A_13 : vector<16xf32>
        %parallel_loop3A_207 = arith.index_cast %parallel_loop3A_107 : i32 to index
        %parallel_loop3A_208 = arith.constant 16 : index
        %parallel_loop3A_209 = tpu.vector_load %arg12[%parallel_loop3A_207, %parallel_loop3A_208] {strides = array<i32>} : memref<200x64xf32, #tpu.memory_space<vmem>>, vector<16xf32>,
        tpu.vector_store %arg12[%parallel_loop3A_207, %parallel_loop3A_208], %parallel_loop3A_206 {strides = array<i32>} : memref<200x64xf32, #tpu.memory_space<vmem>>, vector<16xf32>,
        %parallel_loop3A_210 = arith.subf %parallel_loop3A_128, %parallel_loop3A_158 : vector<16xf32>
        %parallel_loop3A_211 = arith.mulf %parallel_loop3A_195, %get3A_7 : vector<16xf32>
        %parallel_loop3A_212 = arith.mulf %parallel_loop3A_210, %parallel_loop3A_211 : vector<16xf32>
        %parallel_loop3A_213 = arith.addf %parallel_loop3A_212, %get3A_15 : vector<16xf32>
        %parallel_loop3A_214 = arith.index_cast %parallel_loop3A_107 : i32 to index
        %parallel_loop3A_215 = arith.constant 32 : index
        %parallel_loop3A_216 = tpu.vector_load %arg12[%parallel_loop3A_214, %parallel_loop3A_215] {strides = array<i32>} : memref<200x64xf32, #tpu.memory_space<vmem>>, vector<16xf32>,
        tpu.vector_store %arg12[%parallel_loop3A_214, %parallel_loop3A_215], %parallel_loop3A_213 {strides = array<i32>} : memref<200x64xf32, #tpu.memory_space<vmem>>, vector<16xf32>,
        %parallel_loop3A_217 = arith.subf %parallel_loop3A_135, %parallel_loop3A_158 : vector<16xf32>
        %parallel_loop3A_218 = arith.mulf %parallel_loop3A_195, %get3A_9 : vector<16xf32>
        %parallel_loop3A_219 = arith.mulf %parallel_loop3A_217, %parallel_loop3A_218 : vector<16xf32>
        %parallel_loop3A_220 = arith.addf %parallel_loop3A_219, %get3A_17 : vector<16xf32>
        %parallel_loop3A_221 = arith.index_cast %parallel_loop3A_107 : i32 to index
        %parallel_loop3A_222 = arith.constant 48 : index
        %parallel_loop3A_223 = tpu.vector_load %arg12[%parallel_loop3A_221, %parallel_loop3A_222] {strides = array<i32>} : memref<200x64xf32, #tpu.memory_space<vmem>>, vector<16xf32>,
        tpu.vector_store %arg12[%parallel_loop3A_221, %parallel_loop3A_222], %parallel_loop3A_220 {strides = array<i32>} : memref<200x64xf32, #tpu.memory_space<vmem>>, vector<16xf32>,
      } {sc.loop_unroll_factor = 8 : i64, sc.parallel_access}
      %add3A_93 = arith.addi %mul3A_2, %add3A_77 : i32
      %mul3A_94 = arith.constant 200 : i32
      %mul3A_95 = arith.muli %add3A_93, %mul3A_94 : i32
      %dma_start3A_96 = arith.constant 0 : i32
      %dma_start3A_97 = tpu.memref_slice %arg7[%mul3A_95, %dma_start3A_96] : memref<819200x64xf32, #tpu.memory_space<hbm>> -> memref<200x64xf32, #tpu.memory_space<hbm>>
      %dma_start3A_98 = arith.constant 0 : i32
      %dma_start3A_99 = tpu.memref_slice %arg7[%mul3A_95, %dma_start3A_98] : memref<819200x64xf32, #tpu.memory_space<hbm>> -> memref<200x64xf32, #tpu.memory_space<hbm>>
      tpu.enqueue_dma source(%arg12 : memref<200x64xf32, #tpu.memory_space<vmem>>) target(%dma_start3A_99 : memref<200x64xf32, #tpu.memory_space<hbm>>) target_semaphore(%arg19 : memref<!tpu.dma_semaphore, #tpu.memory_space<semaphore_mem>>)
      %add3A_100 = arith.constant 2 : i32
      %add3A_101 = arith.addi %add3A_77, %add3A_100 : i32
      %lt3A_102 = arith.constant 128 : i32
      %lt3A_103 = arith.cmpi slt, %add3A_101, %lt3A_102 : i32
      %convert_element_type3A_104 = arith.extui %lt3A_103 : i1 to i32
      %cond3A_105 = arith.constant 0 : i32
      %cond3A_106 = arith.cmpi ne, %convert_element_type3A_104, %cond3A_105 : i32
      scf.if %cond3A_106 {
        %add3A_107 = arith.constant 2 : i32
        %add3A_108 = arith.addi %add3A_77, %add3A_107 : i32
        %dma_start3A_109 = arith.constant 0 : i32
        %dma_start3A_110 = tpu.memref_slice %arg8[%add3A_108, %dma_start3A_109] : memref<128x200xi32, #tpu.memory_space<vmem>> -> memref<1x200xi32, #tpu.memory_space<vmem>>
        %dma_start3A_111 = tpu.memref_squeeze %dma_start3A_110 : memref<1x200xi32, #tpu.memory_space<vmem>> -> memref<200xi32, #tpu.memory_space<vmem>>
        %dma_start3A_112 = arith.constant 0 : i32
        %dma_start3A_113 = arith.constant 0 : i32
        %dma_start3A_114 = tpu.memref_slice %arg3[%dma_start3A_112, %dma_start3A_113] : memref<1000000x64xf32, #tpu.memory_space<hbm>> -> memref<1000000x64xf32, #tpu.memory_space<hbm>>
        tpu.enqueue_indirect_dma source(%dma_start3A_114 : memref<1000000x64xf32, #tpu.memory_space<hbm>>) target(%arg10 : memref<200x64xf32, #tpu.memory_space<vmem>>) offsets(%dma_start3A_111 : memref<200xi32, #tpu.memory_space<vmem>>) semaphore(%arg17 : memref<!tpu.dma_semaphore, #tpu.memory_space<semaphore_mem>>)
      } else {
      }
    }
    %scan3A_35 = arith.constant 64 : i32
    %dma_wait3A = arith.constant 0 : i32
    %dma_wait3A_36 = arith.constant 0 : i32
    %dma_wait3A_37 = tpu.memref_slice %arg7[%dma_wait3A, %dma_wait3A_36] : memref<819200x64xf32, #tpu.memory_space<hbm>> -> memref<200x64xf32, #tpu.memory_space<hbm>>
    %dma_wait3A_38 = arith.constant 0 : i32
    %dma_wait3A_39 = arith.constant 0 : i32
    %dma_wait3A_40 = tpu.memref_slice %arg7[%dma_wait3A_38, %dma_wait3A_39] : memref<819200x64xf32, #tpu.memory_space<hbm>> -> memref<200x64xf32, #tpu.memory_space<hbm>>
    tpu.wait_dma2 semaphore(%arg18 : memref<!tpu.dma_semaphore, #tpu.memory_space<semaphore_mem>>) src(%arg11 : memref<200x64xf32, #tpu.memory_space<vmem>>) dst(%dma_wait3A_40 : memref<200x64xf32, #tpu.memory_space<hbm>>)
    %dma_wait3A_41 = arith.constant 0 : i32
    %dma_wait3A_42 = arith.constant 0 : i32
    %dma_wait3A_43 = tpu.memref_slice %arg7[%dma_wait3A_41, %dma_wait3A_42] : memref<819200x64xf32, #tpu.memory_space<hbm>> -> memref<200x64xf32, #tpu.memory_space<hbm>>
    %dma_wait3A_44 = arith.constant 0 : i32
    %dma_wait3A_45 = arith.constant 0 : i32
    %dma_wait3A_46 = tpu.memref_slice %arg7[%dma_wait3A_44, %dma_wait3A_45] : memref<819200x64xf32, #tpu.memory_space<hbm>> -> memref<200x64xf32, #tpu.memory_space<hbm>>
    tpu.wait_dma2 semaphore(%arg19 : memref<!tpu.dma_semaphore, #tpu.memory_space<semaphore_mem>>) src(%arg12 : memref<200x64xf32, #tpu.memory_space<vmem>>) dst(%dma_wait3A_46 : memref<200x64xf32, #tpu.memory_space<hbm>>)
    return
  }
}

</mosaic_0001>

<sc_bundles>
// kernel: kernel.3.cloned.1.call-start
scs
__scs_entry_jumppad:
0x0: {  	(pc) =	sbr.rel $0x88, $3  }
0x1: {  	(tag) =	ssettag $0x0;
	lr =	simm.s32 $0x1  }
0x2: {  	[smem:$0x3F9C] =	sst lr;
	_ =	strace $0xD0000000  }
0x3: {  	_ = 	snop  }
0x4: {  	_ = 	snop  }
0x5: {  	_ = 	snop  }
0x6: {  	_ = 	snop  }
0x7: {  	_ = 	snop  }
__scs_overlays_trampoline_lowered:
0x8: {  	[smem:$0x3FAB] =	sst s0  }
0x9: {  	[smem:$0x3FAC] =	sst s1  }
0xa: {  	[smem:$0x3FAD] =	sst s2  }
0xb: {  	[smem:$0x3FAE] =	sst s3  }
0xc: {  	[smem:$0x3FAF] =	sst s4  }
0xd: {  	[smem:$0x3FB0] =	sst s5  }
0xe: {  	[smem:$0x3FB1] =	sst s6  }
0xf: {  	[smem:$0x3FB2] =	sst s7  }
0x10: {  	[smem:$0x3FB3] =	sst s8  }
0x11: {  	[smem:$0x3FB4] =	sst s9;
	s0 =	simm.s32 @!p0 $0x0  }
0x12: {  	s1 =	sld [smem:$0x3F9A];
	s0 =	simm.s32 @p0 $0x1  }
0x13: {  	[smem:$0x3FB5] =	sst s0;
	s0 =	simm.s32 @!p1 $0x0  }
0x14: {  	s2 =	sld [smem:$0x3F99];
	s0 =	simm.s32 @p1 $0x1  }
0x15: {  	[smem:$0x3FB6] =	sst s0;
	s0 =	simm.s32 @!p2 $0x0  }
0x16: {  	s3 =	sld [smem:$0x3FDB];
	s0 =	simm.s32 @p2 $0x1  }
0x17: {  	s4 =	simm.s32 $0x1BF5;
	[smem:$0x3FB8] =	sst s0  }
0x18: {  	s0 =	sld [smem:$0x3F9B];
	_ =	swait.ge [sflag:s4], $0x0  }
0x19: {  	s7 =	sld [smem:$0x3F9C]  }
0x1a: {  	s8 =	sadd.s32 $0xFFFFE003, lr  }
0x1b: {  	s9 =	sadd.s32 $0xFFFFFEF7, lr;
	s5 =	simm.s32 $0xFFFFFFFF;
	p2 =	slt.u32 s8, $0xFFFFF086  }
0x1c: {  	p1 =	slt.u32 s9, $0xF7A;
	s5 =	simm.s32 @!p2 $0x0  }
0x1d: {  	s5 =	simm.s32 @p1 $0x1;
	p0 =	seq.s32 s7, s2  }
0x1e: {  	s7 =	smul.u32 @!p0 $0xF7A, s2;
	p2 =	seq.s32 @!p0 s5, $0x0  }
0x1f: {  	s9 =	smul.u32 $0xF7A, s1;
	s8 =	simm.s32 @!p0 $0x1BF5;
	p2 =	por !p2, p0  }
0x20: {  	[sflag:s8] =	ssyncset.s32 @!p0 $0xFFFFF086;
	s6 =	sadd.s32 @!p0 s3, s7;
	s7 =	simm.s32 @!p0 $0x108  }
0x21: {  	s3 =	sadd.s32 s3, s9;
	s6 =	sadd.s32 @!p0 $0x88, s6;
	s7 =	simm.s32 @p2 $0x1082  }
0x22: {  	[simem:s7], [sflag:s8] =	dma.local @!p0 [hbm:s6], $0xF7A  }
0x23: {  	s9 =	sor.u32 $0xD0000000, s2;
	s6 =	simm.s32 $0x108;
	_ =	swait.ge @!p0 [sflag:s8], $0x0  }
0x24: {  	s3 =	sadd.s32 $0x88, s3;
	s6 =	simm.s32 @!p1 $0x1082;
	[sflag:s4] =	ssyncset.s32 $0xFFFFF086  }
0x25: {  	[simem:s6], [sflag:s4] =	dma.local [hbm:s3], $0xF7A  }
0x26: {  	[smem:$0x3F9C] =	sst s1;
	(tag) =	ssettag s2;
	_ =	strace s9  }
0x27: {  	s1 =	sld [smem:$0x3FAC]  }
0x28: {  	s2 =	sld [smem:$0x3FAD]  }
0x29: {  	s4 =	sld [smem:$0x3FAF]  }
0x2a: {  	p0 =	seq.s32 s5, $0x0;
	s5 =	sld [smem:$0x3FB0]  }
0x2b: {  	s6 =	sld [smem:$0x3FB1]  }
0x2c: {  	s7 =	sld [smem:$0x3FB2]  }
0x2d: {  	s3 =	simm.s32 $0x108;
	s8 =	sld [smem:$0x3FB3]  }
0x2e: {  	s3 =	simm.s32 @!p0 $0x1082;
	s9 =	sld [smem:$0x3FB4]  }
0x2f: {  	lr =	sadd.s32 s0, s3;
	s0 =	sld [smem:$0x3FAB]  }
0x30: {  	s3 =	sld [smem:$0x3FAE]  }
0x31: {  	[smem:$0x3FB7] =	sst s10  }
0x32: {  	s10 =	sld [smem:$0x3FB5];
	_ =	sdelay $0x3  }
0x33: {  	p0 =	seq.s32 s10, $0x1;
	s10 =	sld [smem:$0x3FB7];
	_ =	sdelay $0x3  }
0x34: {  	[smem:$0x3FB7] =	sst s10  }
0x35: {  	s10 =	sld [smem:$0x3FB6];
	_ =	sdelay $0x3  }
0x36: {  	p1 =	seq.s32 s10, $0x1;
	s10 =	sld [smem:$0x3FB7];
	_ =	sdelay $0x3  }
0x37: {  	[smem:$0x3FB7] =	sst s10  }
0x38: {  	s10 =	sld [smem:$0x3FB8]  }
0x39: {  	_ = 	snop;
	(pc) =	sbr.ind lr, $3  }
0x3a: {  	_ = 	snop  }
0x3b: {  	_ = 	snop  }
0x3c: {  	p2 =	seq.s32 s10, $0x1;
	s10 =	sld [smem:$0x3FB7]  }
0x3d: {  	_ =	shalt  }
0x3e: {  	_ =	shalt  }
0x3f: {  	_ =	shalt  }
0x40: {  	_ =	shalt  }
0x41: {  	_ =	shalt  }
0x42: {  	_ =	shalt  }
0x43: {  	_ =	shalt  }
0x44: {  	_ =	shalt  }
0x45: {  	_ =	shalt  }
0x46: {  	_ =	shalt  }
0x47: {  	_ =	shalt  }
0x48: {  	_ =	shalt  }
0x49: {  	_ =	shalt  }
0x4a: {  	_ =	shalt  }
0x4b: {  	_ =	shalt  }
0x4c: {  	_ =	shalt  }
0x4d: {  	_ =	shalt  }
0x4e: {  	_ =	shalt  }
0x4f: {  	_ =	shalt  }
0x50: {  	_ =	shalt  }
0x51: {  	_ =	shalt  }
0x52: {  	_ =	shalt  }
0x53: {  	_ =	shalt  }
0x54: {  	_ =	shalt  }
0x55: {  	_ =	shalt  }
0x56: {  	_ =	shalt  }
0x57: {  	_ =	shalt  }
0x58: {  	_ =	shalt  }
0x59: {  	_ =	shalt  }
0x5a: {  	_ =	shalt  }
0x5b: {  	_ =	shalt  }
0x5c: {  	_ =	shalt  }
0x5d: {  	_ =	shalt  }
0x5e: {  	_ =	shalt  }
0x5f: {  	_ =	shalt  }
0x60: {  	_ =	shalt  }
0x61: {  	_ =	shalt  }
0x62: {  	_ =	shalt  }
0x63: {  	_ =	shalt  }
0x64: {  	_ =	shalt  }
0x65: {  	_ =	shalt  }
0x66: {  	_ =	shalt  }
0x67: {  	_ =	shalt  }
0x68: {  	_ =	shalt  }
0x69: {  	_ =	shalt  }
0x6a: {  	_ =	shalt  }
0x6b: {  	_ =	shalt  }
0x6c: {  	_ =	shalt  }
0x6d: {  	_ =	shalt  }
0x6e: {  	_ =	shalt  }
0x6f: {  	_ =	shalt  }
0x70: {  	_ =	shalt  }
0x71: {  	_ =	shalt  }
0x72: {  	_ =	shalt  }
0x73: {  	_ =	shalt  }
0x74: {  	_ =	shalt  }
0x75: {  	_ =	shalt  }
0x76: {  	_ =	shalt  }
0x77: {  	_ =	shalt  }
0x78: {  	_ =	shalt  }
0x79: {  	_ =	shalt  }
0x7a: {  	_ =	shalt  }
0x7b: {  	_ =	shalt  }
0x7c: {  	_ =	shalt  }
0x7d: {  	_ =	shalt  }
0x7e: {  	_ =	shalt  }
0x7f: {  	_ =	shalt  }
0x80: {  	_ =	shalt  }
0x81: {  	_ =	shalt  }
0x82: {  	_ =	shalt  }
0x83: {  	_ =	shalt  }
0x84: {  	_ =	shalt  }
0x85: {  	_ =	shalt  }
0x86: {  	_ =	shalt  }
0x87: {  	_ =	shalt  }
.Lfunc_end0:
.L_simem_size_0:
called_computation.1_lowered:
.L_overlay_start_0:
0x88: {  	s2 =	sld [smem:$0x3FD9]  }
0x89: {  	s3 =	sld [smem:$0x3FFE];
	_ =	sdelay $0x1  }
0x8a: {  	s1 =	srdreg.scid  }
0x8b: {  	s0 =	sand.u32 $0x1, s1  }
0x8c: {  	s17 =	sshll.u32 s0, $0xA;
	s2 =	sadd.s32 s3, s2  }
0x8d: {  	s2 =	sadd.s32 s2, s17  }
0x8e: {  	[smem:$0x3FC3] =	sst s2  }
0x8f: {  	_ = 	snop  }
0x90: {  	s2 =	sld [smem:$0x3FC6]  }
0x91: {  	s18 =	sld [smem:$0x3FC5]  }
0x92: {  	s4 =	sld [smem:$0x3FD0];
	(tm) =	ssettm $0x1  }
0x93: {  	s5 =	sld [smem:$0x3FFB];
	_ =	sdelay $0x3  }
0x94: {  	_ =	strace s5  }
0x95: {  	s5 =	sld [smem:$0x3FFC];
	_ =	sdelay $0x3  }
0x96: {  	_ =	strace s5  }
0x97: {  	s5 =	sld [smem:$0x3FFD];
	_ =	sdelay $0x3  }
0x98: {  	_ =	strace s5  }
0x99: {  	_ =	strace $0x8FFFFFFF  }
0x9a: {  	s19 =	sld [smem:$0x3FDB];
	_ =	sdelay $0x1  }
0x9b: {  	s6 =	simm.s32 $_scs_section_size  }
0x9c: {  	s7 =	simm.s32 $_size__tile_overlayer_lowered;
	s8 =	simm.s32 $_tile_overlayer_lowered  }
0x9d: {  	s22 =	simm.s32 $0x1BFF;
	s21 =	sshll.u32 s8, $0x1;
	s5 =	sadd.s32 s6, s19  }
0x9e: {  	s9 =	simm.s32 $0x0;
	s20 =	sshll.u32 s7, $0x1;
	s7 =	sadd.s32 s21, s5  }
0x9f: {  	[timem:s9], [sflag:s22] =	dma.local [hbm:s7], s20  }
0xa0: {  	_ =	swait.ge [sflag:s22], s20  }
0xa1: {  	s6 =	ssub.s32 $0x0, s20;
	[sflag:s22] =	ssyncset.done $0x0  }
0xa2: {  	[sflag:s22] =	ssyncadd.s32 s6;
	_ =	sdelay $0x1  }
0xa3: {  	s23 =	simm.s32 $0x1B8B  }
0xa4: {  	_ =	swait.ge [sflag:s23], $0x1  }
0xa5: {  	[sflag:s23] =	ssyncset.done $0x0  }
0xa6: {  	s25 =	simm.s32 $0x1B8E;
	s24 =	sld [smem:$0x3FFE];
	[sflag:s23] =	ssyncadd.s32 $0xFFFFFFFF  }
0xa7: {  	s26 =	simm.s32 $execute0_lowered;
	[smem:$0x3FD2] =	sst s25  }
0xa8: {  	s7 =	sshll.u32 s26, $0x1;
	_ =	strace $0x80000046;
	[dreg:$0x1] =	wrdreg $0xFFFFFFFF  }
0xa9: {  	s28 =	simm.s32 $_size_execute0_lowered;
	s5 =	sadd.s32 s5, s7;
	[dreg:$0x0] =	wrdreg $0x0  }
0xaa: {  	s7 =	sshll.u32 s28, $0x1;
	[dreg:$0x2] =	wrdreg s5  }
0xab: {  	[dreg:$0x3] =	wrdreg s7  }
0xac: {  	[dreg:$0x4] =	wrdreg $0xC0  }
0xad: {  	_ =	task [dreg:s9], $0x5FFFF  }
0xae: {  	[dreg:$0x1] =	wrdreg $0xFFFFFFFF  }
0xaf: {  	[dreg:$0x0] =	wrdreg $0x60  }
0xb0: {  	[dreg:$0x2] =	wrdreg s24  }
0xb1: {  	[dreg:$0x3] =	wrdreg s2  }
0xb2: {  	[dreg:$0x4] =	wrdreg s18  }
0xb3: {  	[dreg:$0x5] =	wrdreg s4  }
0xb4: {  	[dreg:$0x6] =	wrdreg $0x9  }
0xb5: {  	_ =	task.clear_ibuf [dreg:s9], $0x7FFFF;
	_ =	strace $0x90000046  }
0xb6: {  	s29 =	simm.s32 $0x9;
	_ =	strace $0x80000048  }
0xb7: {  	_ =	swait.ge [sflag:s29], $0x1  }
0xb8: {  	[sflag:s29] =	ssyncadd.s32 $0xFFFFFFFF  }
0xb9: {  	_ =	strace $0x90000048  }
0xba: {  	_ =	sfence  }
0xbb: {  	s30 =	sld [smem:$0x0];
	_ =	sdelay $0x2  }
0xbc: {  	s31 =	sshll.u32 s1, $0xD;
	s1 =	sshrl.u32 s1, $0x2  }
0xbd: {  	s3 =	sand.u32 $0x4000, s31;
	s1 =	sadd.s32 s1, s30  }
0xbe: {  	s0 =	sor.u32 s3, s0;
	s1 =	sshll.u32 s1, $0x11  }
0xbf: {  	s0 =	sor.u32 s1, s0  }
0xc0: {  	s0 =	sadd.s32 $0x8F2B, s0  }
0xc1: {  	[sflag:s0] =	ssyncadd.remote.s32 $0x1  }
0xc2: {  	_ =	sfence.sel $0xFFFF  }
0xc3: {  	[dreg:$0x0] =	wrdreg $0xFFFFFFFF;
	(pc) =	sbr.abs _section_cstart, $3  }
0xc4: {  	[dreg:$0x1] =	wrdreg $0xFFFFFFFF  }
0xc5: {  	_ =	task.clear_ibuf [dreg:s9], $0x2FFFF;
	_ =	strace $0x9FFFFFFF  }
0xc6: {  	(tm) =	ssettm $0x7FFFFFFF  }
0xc7: {  	_ =	shalt  }
tec
execute0_lowered:
.L_overlay_start_1:
0x0: {  	(tag) =	ssettag $0x1  }
0x1: {  	s2 =	rddreg [dreg:$0x0]  }
0x2: {  	s1 =	rddreg [dreg:$0x1]  }
0x3: {  	s4 =	srdreg.scid;
	s3 =	rddreg [dreg:$0x2]  }
0x4: {  	s0 =	stileid.u32;
	s5 =	simm.s32 $0x0;
	s12 =	simm.s32 $0x5  }
0x5: {  	s13 =	simm.s32 $0x15E00;
	s14 =	simm.s32 $0x15E40;
	s15 =	simm.s32 $0xC8  }
0x6: {  	s16 =	simm.s32 $0x6400;
	s17 =	simm.s32 $0x9600;
	s18 =	simm.s32 $0x1  }
0x7: {  	s19 =	simm.s32 $0xC800;
	s20 =	simm.s32 $0x2;
	s21 =	simm.s32 $0xFA00  }
0x8: {  	s22 =	simm.s32 $0x3;
	s23 =	simm.s32 $0x4;
	s7 =	sand.u32 $0x1, s4  }
0x9: {  	s24 =	simm.s32 $0x0;
	s6 =	sshll.u32 s0, $0x8;
	s8 =	sshll.u32 s7, $0x7  }
.Ltmp0:
0xa: {  	s4 =	rddreg [dreg:$0x3];
	s6 =	sor.u32 s8, s6;
	(pc) =	sbr.rel .LBB2_1-.Ltmp0, $4  }
0xb: {  	[smem:$0x7FF] =	sst s5;
	s9 =	ssub.s32 $0x2, s7;
	s8 =	smul.u32 $0x19, s6  }
0xc: {  	_ =	strace $0x80000047;
	s7 =	sadd.s32 $0xF43000, s2;
	s11 =	sshrl.u32 s9, $0x1  }
0xd: {  	s31 =	ssub.s32 s9, s11;
	s11 =	simm.s32 $0x12C00;
	s10 =	sadd.s32 s8, s2  }
0xe: {  	s8 =	sadd.s32 $0x19C00, s2;
	s9 =	sadd.s32 $0xC00, s10;
	s10 =	smax.u32 s31, $0x1  }
.LBB2_8:
0xf: {  	s24 =	sadd.s32 $0x1, s24  }
0x10: {  	_ =	swait.ge [sflag:s22], $0x3200;
	p0 =	sne.s32 s24, s10  }
.Ltmp1:
0x11: {  	[sflag:s22] =	ssyncset.done $0x0;
	(pc) =	sbr.rel @!p0 .LBB2_9-.Ltmp1, $4  }
0x12: {  	[sflag:s22] =	ssyncadd.s32 $0xFFFFCE00  }
0x13: {  	_ =	swait.ge [sflag:s23], $0x3200  }
0x14: {  	[sflag:s23] =	ssyncset.done $0x0  }
0x15: {  	[sflag:s23] =	ssyncadd.s32 $0xFFFFCE00  }
.LBB2_1:
0x16: {  	[tilespmem:s11], [sflag:$0x5] =	stream.linear.gather [hbm4b:s8+s5], $0x3200, $0x38;
	[tilespmem:$0x15E80] =	vst v63  }
0x17: {  	_ =	swait.ge [sflag:s12], $0x3200  }
0x18: {  	[sflag:s12] =	ssyncset.done $0x0  }
0x19: {  	[sflag:s12] =	ssyncadd.s32 $0xFFFFCE00  }
0x1a: {  	[tilespmem:s13], [sflag:$0x5] =	stream.linear.gather [hbm4b:s1+s5], $0x40, $0x38;
	[tilespmem:$0x15E80] =	vst v63  }
0x1b: {  	_ =	swait.ge [sflag:s12], $0x40  }
0x1c: {  	[sflag:s12] =	ssyncset.done $0x0  }
0x1d: {  	[sflag:s12] =	ssyncadd.s32 $0xFFFFFFC0  }
0x1e: {  	[tilespmem:s14], [sflag:$0x5] =	stream.linear.gather [hbm4b:s3+s5], $0x40, $0x38;
	[tilespmem:$0x15E80] =	vst v63  }
0x1f: {  	_ =	swait.ge [sflag:s12], $0x40  }
0x20: {  	[sflag:s12] =	ssyncset.done $0x0  }
0x21: {  	[sflag:s12] =	ssyncadd.s32 $0xFFFFFFC0  }
0x22: {  	[tilespmem:s5], [sflag:$0x5] =	stream.linear.gather [hbm4b:s9+s5], $0x6400, $0x38;
	[tilespmem:$0x15E80] =	vst v63  }
0x23: {  	_ =	swait.ge [sflag:s12], $0x6400  }
0x24: {  	[sflag:s12] =	ssyncset.done $0x0  }
0x25: {  	[sflag:s12] =	ssyncadd.s32 $0xFFFF9C00  }
0x26: {  	v57 =	vld [tilespmem:$0x15E00]  }
0x27: {  	v58 =	vld [tilespmem:$0x15E10]  }
0x28: {  	v59 =	vld [tilespmem:$0x15E20]  }
0x29: {  	v11 =	vld [tilespmem:$0x15E30]  }
0x2a: {  	v0 =	vld [tilespmem:$0x15E40]  }
0x2b: {  	v62 =	vld [tilespmem:$0x15E50]  }
0x2c: {  	v63 =	vld [tilespmem:$0x15E60]  }
0x2d: {  	v52 =	vld [tilespmem:$0x15E70];
	[tilespmem:s16], [sflag:$0x1] =	stream.indirect.gather [hbm4b:s7+s15], $0x40, s5, s15, $0xb8  }
0x2e: {  	_ = 	snop  }
0x2f: {  	[tilespmem:s17], [sflag:$0x2] =	stream.indirect.gather [hbm4b:s7+s15], $0x40, s15, s15, $0xb8;
	[tilespmem:$0x15E80] =	vst v63  }
0x30: {  	[tilespmem:$0x1FF80] =	vst v0  }
0x31: {  	[tilespmem:$0x1FF90] =	vst v62  }
0x32: {  	[tilespmem:$0x1FFA0] =	vst v63  }
0x33: {  	[tilespmem:$0x1FFB0] =	vst v52  }
0x34: {  	[tilespmem:$0x1FFC0] =	vst v11  }
0x35: {  	[tilespmem:$0x1FFD0] =	vst v59  }
0x36: {  	[tilespmem:$0x1FFE0] =	vst v57  }
0x37: {  	s25 =	simm.s32 $0x0;
	[tilespmem:$0x1FFF0] =	vst v58  }
.LBB2_2:
0x38: {  	_ =	swait.ge [sflag:s18], $0x3200  }
0x39: {  	p0 =	seq.s32 s25, $0x0;
	[sflag:s18] =	ssyncset.done $0x0  }
0x3a: {  	s2 =	simm.s32 @!p0 $0x3;
	[sflag:s18] =	ssyncadd.s32 $0xFFFFCE00  }
0x3b: {  	_ =	swait.ge @!p0 [sflag:s2], $0x3200  }
0x3c: {  	[sflag:s2] =	ssyncset.done @!p0 $0x0  }
0x3d: {  	s26 =	simm.s32 $0x6500;
	[sflag:s2] =	ssyncadd.s32 @!p0 $0xFFFFCE00  }
0x3e: {  	s28 =	simm.s32 $0x12D00;
	v0 =	vld [tilespmem:s26+$0xC0]  }
0x3f: {  	v1 =	vld [tilespmem:s28+$0xC0]  }
0x40: {  	v2 =	vld [tilespmem:s26+$0xD0]  }
0x41: {  	v3 =	vld [tilespmem:s28+$0xD0]  }
0x42: {  	v4 =	vld [tilespmem:s26+$0xE0]  }
0x43: {  	v5 =	vld [tilespmem:s28+$0xE0]  }
0x44: {  	v6 =	vld [tilespmem:s26+$0xF0]  }
0x45: {  	v7 =	vld [tilespmem:s28+$0xF0]  }
0x46: {  	v8 =	vld [tilespmem:s26+$0xFFFFFF10]  }
0x47: {  	v9 =	vld [tilespmem:s28+$0xFFFFFF10]  }
0x48: {  	v13 =	vld [tilespmem:s26+$0xFFFFFF20]  }
0x49: {  	v17 =	vld [tilespmem:s28+$0xFFFFFF40]  }
0x4a: {  	v18 =	vld [tilespmem:s28+$0xFFFFFF50]  }
0x4b: {  	v19 =	vld [tilespmem:s26+$0xFFFFFF60]  }
0x4c: {  	v20 =	vld [tilespmem:s26+$0xFFFFFF80]  }
0x4d: {  	v22 =	vld [tilespmem:s28+$0xFFFFFF80]  }
0x4e: {  	v61 =	vld [tilespmem:s26+$0x60];
	v16 =	vadd.f32 v1, v0;
	v12 =	vadd.f32 v3, v2  }
0x4f: {  	v63 =	vld [tilespmem:s28+$0x60];
	v56 =	vadd.f32 v5, v4;
	v10 =	vadd.f32 v7, v6  }
0x50: {  	v0 =	vld [tilespmem:s28+$0xFFFFFF20];
	v2 =	vadd.f32 v12, v16  }
0x51: {  	v1 =	vld [tilespmem:s26+$0xFFFFFF30];
	v4 =	vadd.f32 v10, v56;
	v5 =	vmul.f32 v16, v16;
	v6 =	vmul.f32 v12, v12  }
0x52: {  	v3 =	vld [tilespmem:s28+$0xFFFFFF30];
	v14 =	vmul.f32 v56, v56;
	v15 =	vmul.f32 v10, v10  }
0x53: {  	v7 =	vld [tilespmem:s26+$0xFFFFFF40];
	v2 =	vadd.f32 v4, v2  }
0x54: {  	v4 =	vld [tilespmem:s26+$0xFFFFFF50];
	v5 =	vadd.f32 v6, v5;
	v6 =	vadd.f32 v15, v14  }
0x55: {  	v14 =	vadd.f32 v9, v8;
	v8 =	vld [tilespmem:s26+$0xFFFFFF90]  }
0x56: {  	(xrf2) =	vadd.scan.msk.f32 $0xffff, v2;
	v2 =	vadd.f32 v6, v5;
	v5 =	vld [tilespmem:s28+$0xFFFFFF60]  }
0x57: {  	v6 =	vld [tilespmem:s26+$0xFFFFFF70]  }
0x58: {  	(xrf2) =	vadd.scan.msk.f32 $0xffff, v2;
	v2 =	vld [tilespmem:s28+$0xFFFFFF70]  }
0x59: {  	v15 =	vadd.f32 v0, v13;
	v0 =	vld [tilespmem:s28+$0xFFFFFF90]  }
0x5a: {  	v60 =	vadd.f32 v3, v1;
	v1 =	vld [tilespmem:s26+$0xFFFFFFA0]  }
0x5b: {  	v29 =	vadd.f32 v18, v4;
	v18 =	vld [tilespmem:s28+$0xFFFFFFB0]  }
0x5c: {  	v24 =	vadd.f32 v17, v7;
	v28 =	vadd.f32 v5, v19;
	v5 =	vld [tilespmem:s26+$0xFFFFFFB0]  }
0x5d: {  	v3 =	vmul.f32 v15, v15;
	v4 =	vmul.f32 v60, v60;
	v21 =	vadd.f32 v2, v6;
	v2 =	vld [tilespmem:s28+$0xFFFFFFA0]  }
0x5e: {  	v30 =	vadd.f32 v22, v20;
	v7 =	vadd.f32 v29, v24  }
0x5f: {  	v20 =	vld [tilespmem:s28+$0xFFFFFFF0];
	v41 =	vadd.f32 v4, v3;
	v3 =	vmul.f32 v29, v29;
	v17 =	vadd.f32 v21, v28  }
0x60: {  	v23 =	vadd.f32 v0, v8;
	v8 =	vld [tilespmem:s26+$0xFFFFFFE0];
	v6 =	vmul.f32 v24, v24;
	v19 =	vmul.f32 v28, v28  }
0x61: {  	v25 =	vmul.f32 v21, v21;
	v9, _, _ =	vpop (xrf2);
	v31 =	vadd.f32 v18, v5;
	v5 =	vld [tilespmem:s26+$0xFFFFFFF0];
	v7 =	vadd.f32 v17, v7  }
0x62: {  	v13 =	vadd.f32 v63, v61;
	v9 =	vmul.f32 $1.562500000e-02, v9;
	v32 =	vadd.f32 v2, v1;
	v1 =	vld [tilespmem:s28+$0xFFFFFFE0]  }
0x63: {  	v26 =	vld [tilespmem:s28+$0xFFFFFFC0];
	v3 =	vadd.f32 v3, v6;
	v0 =	vadd.f32 v25, v19;
	v22 =	vmul.f32 v31, v31;
	v17, _, _ =	vpop (xrf2);
	(xrf2) =	vadd.scan.msk.f32 $0xffff, v7  }
0x64: {  	v42 =	vadd.f32 v60, v15;
	v4 =	vld [tilespmem:s26+$0xFFFFFFC0];
	v6 =	vmul.f32 $1.562500000e-02, v17;
	v17 =	vmul.f32 v9, v9  }
0x65: {  	v27 =	vld [tilespmem:s26+$0xFFFFFFD0];
	v0 =	vadd.f32 v0, v3;
	v18 =	vmul.f32 v32, v32;
	v19 =	vadd.f32 v31, v32  }
0x66: {  	v2 =	vmul.f32 v23, v23;
	v7 =	vld [tilespmem:s28+$0xFFFFFFD0];
	v20 =	vadd.f32 v20, v5;
	v6 =	vsub.f32 v6, v17  }
0x67: {  	v34 =	vld [tilespmem:s26+$0x10];
	v17 =	vmul.f32 v30, v30;
	v22 =	vadd.f32 v22, v18;
	v18 =	vadd.f32 v1, v8  }
0x68: {  	v35 =	vld [tilespmem:s28+$0x20];
	(xrf2) =	vadd.scan.msk.f32 $0xffff, v0;
	v3 =	vadd.f32 $9.999999740e-06, v6;
	v6 =	vadd.f32 v23, v30  }
0x69: {  	v37 =	vld [tilespmem:s26+$0x30];
	v2 =	vadd.f32 v2, v17;
	v17 =	vadd.f32 v26, v4  }
0x6a: {  	v25 =	vld [tilespmem:s26+$0x0];
	v38 =	vmul.f32 v20, v20;
	v3 =	vbroadcast v3, $0xF;
	v4 =	vadd.f32 v19, v6  }
0x6b: {  	v5 =	vmul.f32 v18, v18;
	v6 =	vld [tilespmem:s28+$0x0];
	v19 =	vadd.f32 v7, v27;
	v7 =	vmul.f32 v17, v17  }
0x6c: {  	v2 =	vadd.f32 v22, v2;
	v26 =	vshra.s32 v3, $0x1;
	v3 =	vmul.f32 $5.000000000e-01, v3;
	(xrf2) =	vadd.scan.msk.f32 $0xffff, v4;
	v4 =	vld [tilespmem:s28+$0x10]  }
0x6d: {  	v40 =	vld [tilespmem:s28+$0x30];
	v22 =	vmul.f32 v19, v19;
	v36 =	vadd.f32 v19, v17;
	v1 =	vsub.s32 $0x5F3759DF, v26;
	v27, _, _ =	vpop (xrf2)  }
0x6e: {  	v26 =	vld [tilespmem:s26+$0x20];
	(xrf2) =	vadd.scan.msk.f32 $0xffff, v2;
	v2 =	vadd.f32 v20, v18;
	v8 =	vmul.f32 v1, v3;
	v27 =	vmul.f32 $1.562500000e-02, v27  }
0x6f: {  	v55 =	vld [tilespmem:s28+$0x50];
	v0 =	vmul.f32 v14, v14;
	v5 =	vadd.f32 v38, v5;
	v7 =	vadd.f32 v22, v7  }
0x70: {  	v46 =	vld [tilespmem:s26+$0x70];
	v22 =	vadd.f32 v6, v25;
	v2 =	vadd.f32 v2, v36;
	v8 =	vmul.f32 v1, v8  }
0x71: {  	v39 =	vbroadcast v27, $0xF;
	v43 =	vmul.f32 v27, v27;
	v25 =	vadd.f32 v4, v34;
	v4 =	vld [tilespmem:s28+$0x40]  }
0x72: {  	v5 =	vadd.f32 v5, v7;
	v50 =	vmul.f32 v22, v22;
	v6 =	vsub.f32 $1.500000000e+00, v8;
	v8 =	vld [tilespmem:s26+$0x40];
	v27, _, _ =	vpop (xrf2)  }
0x73: {  	v48 =	vld [tilespmem:s26+$0x80];
	v26 =	vadd.f32 v35, v26;
	v53 =	vmul.f32 $1.562500000e-02, v27;
	v27 =	vadd.f32 v40, v37  }
0x74: {  	(xrf2) =	vadd.scan.msk.f32 $0xffff, v2;
	v54 =	vadd.f32 v25, v22;
	v44 =	vmul.f32 v25, v25;
	v1 =	vmul.f32 v1, v6;
	v6 =	vld [tilespmem:s26+$0x50]  }
0x75: {  	v63 =	vld [tilespmem:s28+$0xB0];
	v7 =	vmul.f32 v26, v26;
	v36 =	vsub.f32 v53, v43;
	v51 =	vadd.f32 v27, v26  }
0x76: {  	v44 =	vadd.f32 v44, v50;
	v47 =	vmul.f32 v27, v27;
	v53 =	vld [tilespmem:s28+$0x80];
	v2 =	vmul.f32 v1, v3;
	v62, _, _ =	vpop (xrf2)  }
0x77: {  	v50 =	vld [tilespmem:s26+$0xB0];
	v45 =	vmul.f32 $1.562500000e-02, v62;
	v34 =	vadd.f32 v4, v8;
	v40 =	vadd.f32 v51, v54  }
0x78: {  	v4 =	vld [tilespmem:s28+$0x70];
	v49, _, _ =	vpop (xrf2);
	v7 =	vadd.f32 v47, v7;
	v54 =	vadd.f32 $9.999999740e-06, v36;
	v2 =	vmul.f32 v2, v1  }
0x79: {  	(xrf2) =	vadd.scan.msk.f32 $0xffff, v5;
	v5 =	vmul.f32 $1.562500000e-02, v49;
	v8 =	vmul.f32 v45, v45;
	v35 =	vadd.f32 v55, v6  }
0x7a: {  	v33 =	vld [tilespmem:s28+$0xFFFFFF00];
	v6 =	vmul.f32 v34, v34;
	v7 =	vadd.f32 v7, v44;
	v2 =	vsub.f32 $1.500000000e+00, v2  }
0x7b: {  	v24 =	vsub.f32 v24, v39;
	v51 =	vbroadcast v54, $0xF;
	v54 =	vld [tilespmem:s26+$0xFFFFFF00];
	v45 =	vbroadcast v45, $0xF  }
0x7c: {  	(xrf2) =	vadd.scan.msk.f32 $0xffff, v40;
	v40 =	vld [tilespmem:s28+$0x90];
	v38 =	vadd.f32 v53, v48;
	v50 =	vadd.f32 v63, v50;
	v1 =	vmul.f32 v2, v1  }
0x7d: {  	v55 =	vmul.f32 v35, v35;
	v5 =	vsub.f32 v5, v8;
	v2 =	vld [tilespmem:s26+$0x90];
	v37 =	vadd.f32 v4, v46  }
0x7e: {  	v61 =	vld [tilespmem:s28+$0xA0];
	v8 =	vadd.f32 v35, v34;
	(xrf2) =	vadd.scan.msk.f32 $0xffff, v7;
	v46 =	vmul.f32 v13, v13;
	v7, _, _ =	vpop (xrf2);
	v3 =	vmul.f32 v1, v3  }
0x7f: {  	v4 =	vld [tilespmem:s26+$0xA0];
	v6 =	vadd.f32 v55, v6;
	v62 =	vadd.f32 v37, v13;
	v44 =	vmul.f32 $1.562500000e-02, v7  }
0x80: {  	v5 =	vadd.f32 $9.999999740e-06, v5;
	v47 =	vadd.f32 v33, v54;
	v3 =	vmul.f32 v3, v1  }
0x81: {  	v7 =	vmul.f32 v37, v37;
	v8 =	vadd.f32 v62, v8;
	v55 =	vmul.f32 v44, v44  }
0x82: {  	v62 =	vmul.f32 v47, v47;
	v40 =	vadd.f32 v40, v2;
	v3 =	vsub.f32 $1.500000000e+00, v3  }
0x83: {  	v2 =	vadd.f32 v7, v46;
	v7 =	vmul.f32 v38, v38;
	v46 =	vbroadcast v9, $0xF;
	(xrf2) =	vadd.scan.msk.f32 $0xffff, v8  }
0x84: {  	v43 =	vadd.f32 v61, v4;
	v0 =	vadd.f32 v0, v62;
	v36 =	vmul.f32 v3, v1  }
0x85: {  	v2 =	vadd.f32 v2, v6;
	v4 =	vmul.f32 v40, v40;
	v6 =	vsub.f32 v10, v46  }
0x86: {  	v9 =	vmul.f32 v43, v43;
	v1 =	vadd.f32 v40, v38;
	v3, _, _ =	vpop (xrf2);
	v8 =	vmul.f32 v36, v11  }
0x87: {  	(xrf2) =	vadd.scan.msk.f32 $0xffff, v2;
	v2 =	vadd.f32 v4, v7;
	v4 =	vadd.f32 v50, v43;
	v7 =	vmul.f32 v50, v50;
	v10, _, _ =	vpop (xrf2)  }
0x88: {  	v3 =	vmul.f32 $1.562500000e-02, v3;
	v48 =	vmul.f32 $1.562500000e-02, v10;
	v10 =	vadd.f32 v14, v47  }
0x89: {  	v5 =	vbroadcast v5, $0xF;
	v1 =	vadd.f32 v4, v1;
	v4 =	vadd.f32 v7, v9  }
0x8a: {  	v61, _, _ =	vpop (xrf2);
	v6 =	vmul.f32 v8, v6;
	v8 =	vshra.s32 v51, $0x1;
	v3 =	vsub.f32 v3, v55  }
0x8b: {  	v33 =	vmul.f32 $1.562500000e-02, v61;
	v7 =	vadd.f32 v42, v10;
	v9 =	vmul.f32 v48, v48  }
0x8c: {  	[tilespmem:$0x1FF00] =	vst v50;
	v0 =	vadd.f32 v41, v0;
	v8 =	vsub.s32 $0x5F3759DF, v8;
	v3 =	vadd.f32 $9.999999740e-06, v3  }
0x8d: {  	v2 =	vadd.f32 v4, v2;
	v4 =	vsub.f32 v33, v9;
	(xrf2) =	vadd.scan.msk.f32 $0xffff, v7;
	v7 =	vmul.f32 $5.000000000e-01, v51;
	v10, _, _ =	vpop (xrf2)  }
0x8e: {  	v6 =	vadd.f32 v6, v52;
	v50 =	vmul.f32 $1.562500000e-02, v10;
	v3 =	vbroadcast v3, $0xF;
	(xrf2) =	vadd.scan.msk.f32 $0xffff, v1  }
0x8f: {  	v9 =	vmul.f32 $5.000000000e-01, v5;
	v1 =	vshra.s32 v5, $0x1;
	v4 =	vadd.f32 $9.999999740e-06, v4  }
0x90: {  	v5 =	vmul.f32 v8, v7;
	v63 =	vmul.f32 v50, v50;
	v49 =	vshra.s32 v3, $0x1  }
0x91: {  	v4 =	vbroadcast v4, $0xF;
	v10, _, _ =	vpop (xrf2);
	(xrf2) =	vadd.scan.msk.f32 $0xffff, v0;
	v0 =	vsub.s32 $0x5F3759DF, v1;
	v1 =	vmul.f32 $5.000000000e-01, v3  }
0x92: {  	v3 =	vsub.s32 $0x5F3759DF, v49;
	v5 =	vmul.f32 v8, v5;
	v10 =	vmul.f32 $1.562500000e-02, v10  }
0x93: {  	v53 =	vmul.f32 v0, v9;
	v51 =	vshra.s32 v4, $0x1;
	v4 =	vmul.f32 $5.000000000e-01, v4  }
0x94: {  	(xrf2) =	vadd.scan.msk.f32 $0xffff, v2;
	v54 =	vmul.f32 v3, v1;
	v10 =	vsub.f32 v10, v63;
	v41 =	vsub.s32 $0x5F3759DF, v51  }
0x95: {  	v5 =	vsub.f32 $1.500000000e+00, v5;
	v33 =	vmul.f32 v0, v53;
	v2 =	vmul.f32 v41, v4  }
0x96: {  	v44 =	vbroadcast v44, $0xF;
	v42 =	vmul.f32 v3, v54;
	v10 =	vadd.f32 $9.999999740e-06, v10  }
0x97: {  	[tilespmem:$0x1FF70] =	vst v6;
	v5 =	vmul.f32 v8, v5;
	v33 =	vsub.f32 $1.500000000e+00, v33;
	v2 =	vmul.f32 v41, v2;
	v6, _, _ =	vpop (xrf2)  }
0x98: {  	v42 =	vsub.f32 $1.500000000e+00, v42;
	v10 =	vbroadcast v10, $0xF;
	v6 =	vmul.f32 $1.562500000e-02, v6;
	v61, _, _ =	vpop (xrf2)  }
0x99: {  	v0 =	vmul.f32 v0, v33;
	v49 =	vmul.f32 $1.562500000e-02, v61;
	v2 =	vsub.f32 $1.500000000e+00, v2  }
0x9a: {  	v3 =	vmul.f32 v3, v42;
	v55 =	vshra.s32 v10, $0x1;
	v10 =	vmul.f32 $5.000000000e-01, v10  }
0x9b: {  	[tilespmem:$0x1FEF0] =	vst v43;
	v61 =	vmul.f32 v5, v7;
	v62 =	vmul.f32 v6, v6;
	v43 =	vsub.s32 $0x5F3759DF, v55;
	v63, _, _ =	vpop (xrf2)  }
0x9c: {  	v8 =	vmul.f32 v43, v10;
	v54 =	vmul.f32 $1.562500000e-02, v63  }
0x9d: {  	v29 =	vsub.f32 v29, v39;
	[tilespmem:$0x1FF10] =	vst v24;
	v24 =	vmul.f32 v49, v49;
	v2 =	vmul.f32 v41, v2  }
0x9e: {  	v42 =	vmul.f32 v61, v5;
	v55, _, _ =	vpop (xrf2);
	v8 =	vmul.f32 v43, v8;
	v33 =	vsub.f32 v54, v62  }
0x9f: {  	v28 =	vsub.f32 v28, v39;
	[tilespmem:$0x1FF20] =	vst v29;
	v29 =	vmul.f32 v2, v4;
	v41 =	vmul.f32 $1.562500000e-02, v55  }
0xa0: {  	v63 =	vmul.f32 v3, v1;
	v8 =	vsub.f32 $1.500000000e+00, v8;
	v33 =	vadd.f32 $9.999999740e-06, v33  }
0xa1: {  	v62 =	vmul.f32 v0, v9;
	v29 =	vmul.f32 v29, v2;
	v24 =	vsub.f32 v41, v24  }
0xa2: {  	v42 =	vsub.f32 $1.500000000e+00, v42;
	v8 =	vmul.f32 v43, v8;
	v33 =	vbroadcast v33, $0xF  }
0xa3: {  	v43 =	vmul.f32 v62, v0;
	v24 =	vadd.f32 $9.999999740e-06, v24;
	v62 =	vmul.f32 v63, v3  }
0xa4: {  	v61 =	vmul.f32 v8, v10;
	v63 =	vshra.s32 v33, $0x1;
	v53 =	vmul.f32 $5.000000000e-01, v33  }
0xa5: {  	v5 =	vmul.f32 v42, v5;
	v24 =	vbroadcast v24, $0xF;
	v52 =	vsub.s32 $0x5F3759DF, v63  }
0xa6: {  	[tilespmem:$0x1FF30] =	vst v28;
	v28 =	vmul.f32 v61, v8;
	v61 =	vmul.f32 v52, v53  }
0xa7: {  	v29 =	vsub.f32 $1.500000000e+00, v29;
	v54 =	vshra.s32 v24, $0x1;
	v24 =	vmul.f32 $5.000000000e-01, v24  }
0xa8: {  	v7 =	vmul.f32 v5, v7;
	v54 =	vsub.s32 $0x5F3759DF, v54;
	v41 =	vmul.f32 v52, v61  }
0xa9: {  	v2 =	vmul.f32 v29, v2;
	v43 =	vsub.f32 $1.500000000e+00, v43;
	v55 =	vmul.f32 v54, v24  }
0xaa: {  	v7 =	vmul.f32 v7, v5;
	v51 =	vsub.f32 $1.500000000e+00, v62;
	v41 =	vsub.f32 $1.500000000e+00, v41  }
0xab: {  	v4 =	vmul.f32 v2, v4;
	v28 =	vsub.f32 $1.500000000e+00, v28;
	v62 =	vmul.f32 v54, v55  }
0xac: {  	v0 =	vmul.f32 v43, v0;
	v43 =	vsub.f32 v21, v39;
	v21 =	vmul.f32 v52, v41  }
0xad: {  	v3 =	vmul.f32 v51, v3;
	v8 =	vmul.f32 v28, v8;
	v28 =	vsub.f32 $1.500000000e+00, v62  }
0xae: {  	v16 =	vsub.f32 v16, v46;
	v4 =	vmul.f32 v4, v2;
	v29 =	vmul.f32 v21, v53  }
0xaf: {  	v42 =	vsub.f32 v23, v45;
	v9 =	vmul.f32 v0, v9;
	v23 =	vmul.f32 v54, v28  }
0xb0: {  	v7 =	vsub.f32 $1.500000000e+00, v7;
	v1 =	vmul.f32 v3, v1;
	v28 =	vmul.f32 v29, v21  }
0xb1: {  	v39 =	vsub.f32 v32, v45;
	v9 =	vmul.f32 v9, v0;
	v29 =	vmul.f32 v23, v24  }
0xb2: {  	v4 =	vsub.f32 $1.500000000e+00, v4;
	v1 =	vmul.f32 v1, v3;
	v28 =	vsub.f32 $1.500000000e+00, v28  }
0xb3: {  	[tilespmem:$0x1FF40] =	vst v16;
	v10 =	vmul.f32 v8, v10;
	v9 =	vsub.f32 $1.500000000e+00, v9;
	v16 =	vmul.f32 v29, v23  }
0xb4: {  	v41 =	vsub.f32 v30, v45;
	v1 =	vsub.f32 $1.500000000e+00, v1;
	v21 =	vmul.f32 v28, v21  }
0xb5: {  	v10 =	vmul.f32 v10, v8;
	v63 =	vmul.f32 v9, v0;
	v16 =	vsub.f32 $1.500000000e+00, v16  }
0xb6: {  	v45 =	vsub.f32 v31, v45;
	v28 =	vmul.f32 v7, v5;
	v5 =	vmul.f32 v21, v53  }
0xb7: {  	v7 =	vsub.f32 $1.500000000e+00, v10;
	v0 =	vmul.f32 v16, v23;
	v16 =	vmul.f32 v1, v3  }
0xb8: {  	v1 =	vsub.f32 v12, v46;
	v12 =	vmul.f32 v4, v2;
	v3 =	vbroadcast v6, $0xF  }
0xb9: {  	v31 =	vmovc v11;
	v11 =	vmul.f32 v7, v8;
	v4 =	vsub.f32 v56, v46;
	v46 =	vbroadcast v48, $0xF  }
0xba: {  	v9 =	vmul.f32 v28, v57;
	v7 =	vmul.f32 v28, v58  }
0xbb: {  	v53 =	vsub.f32 v18, v44;
	v5 =	vmul.f32 v5, v21;
	[tilespmem:$0x1FF50] =	vst v1;
	v1 =	vmul.f32 v0, v24  }
0xbc: {  	v24 =	vsub.f32 v15, v3;
	v8 =	vsub.f32 v60, v3;
	v62 =	vmul.f32 v16, v58  }
0xbd: {  	v61 =	vmul.f32 v16, v59;
	v60 =	vmul.f32 v16, v31;
	v51 =	vsub.f32 v25, v46  }
0xbe: {  	v15 =	vmovc v57;
	v52 =	vmul.f32 v12, v31;
	v18 =	vmul.f32 v11, v31;
	v2 =	vsub.f32 $1.500000000e+00, v5  }
0xbf: {  	v25 =	vsub.f32 v27, v46;
	v27 =	vmul.f32 v11, v15;
	v1 =	vmul.f32 v1, v0  }
0xc0: {  	[tilespmem:$0x1FF60] =	vst v4;
	v6 =	vsub.f32 v14, v3;
	v5 =	vmul.f32 v28, v59;
	v4 =	vmul.f32 v2, v21  }
0xc1: {  	v2 =	vsub.f32 v47, v3;
	v47 =	vbroadcast v50, $0xF;
	v21 =	vbroadcast v49, $0xF  }
0xc2: {  	v48 =	vmovc v58;
	v1 =	vsub.f32 $1.500000000e+00, v1;
	v50 =	vsub.f32 v17, v44;
	v3 =	vmul.f32 v63, v57  }
0xc3: {  	v17 =	vsub.f32 v19, v44;
	v49 =	vmul.f32 v63, v31;
	v19 =	vmul.f32 v11, v48  }
0xc4: {  	v29 =	vmul.f32 v4, v57;
	v23 =	vmul.f32 v4, v58  }
0xc5: {  	v10 =	vmul.f32 v4, v59;
	v14 =	vmul.f32 v1, v0  }
0xc6: {  	v54 =	vsub.f32 v26, v46;
	v1 =	vmul.f32 v63, v58;
	v0 =	vmul.f32 v63, v59  }
0xc7: {  	v63 =	vmul.f32 v16, v57;
	v16 =	vmovc v59;
	v26 =	vsub.f32 v13, v47;
	v13 =	vmul.f32 v36, v15  }
0xc8: {  	v56 =	vsub.f32 v22, v46;
	v22 =	vmul.f32 v11, v16;
	v11 =	vmul.f32 v14, v15;
	v15 =	vld [tilespmem:$0x1FF70]  }
0xc9: {  	v32 =	vsub.f32 v20, v44;
	v30 =	vmul.f32 v4, v31;
	v4 =	vmul.f32 v28, v31  }
0xca: {  	v59 =	vmul.f32 v12, v57;
	v57 =	vmul.f32 v12, v58;
	v55 =	vsub.f32 v34, v47  }
0xcb: {  	v34 =	vsub.f32 v35, v47;
	v58 =	vmul.f32 v12, v16;
	v20 =	vmul.f32 v14, v48  }
0xcc: {  	s30 =	simm.s32 $0xC900;
	s31 =	simm.s32 $0x0;
	v28 =	vsub.f32 v37, v47;
	v12 =	vmul.f32 v14, v16;
	v14 =	vmul.f32 v14, v31  }
0xcd: {  	s29 =	simm.s32 $0xC900;
	s2 =	simm.s32 $0x6700;
	s26 =	sshll.u32 s25, $0x1;
	v35 =	vsub.f32 v38, v21;
	v16 =	vmul.f32 v36, v16;
	[tilespmem:s30+$0xF0] =	vst v15;
	v15 =	vmul.f32 v36, v48  }
.LBB2_3:
0xce: {  	v10 =	vmul.f32 v10, v24;
	v24 =	vld [tilespmem:$0x1FF10];
	_ =	sdelay $0x4  }
0xcf: {  	v9 =	vmul.f32 v9, v24;
	v24 =	vld [tilespmem:$0x1FF20];
	_ =	sdelay $0x2  }
0xd0: {  	v31 =	vld [tilespmem:$0x1FEF0]  }
0xd1: {  	v36 =	vld [tilespmem:s2+$0xC0]  }
0xd2: {  	v7 =	vmul.f32 v7, v24;
	v24 =	vld [tilespmem:$0x1FF30]  }
0xd3: {  	v48 =	vld [tilespmem:$0x1FF90]  }
0xd4: {  	v6 =	vmul.f32 v23, v6;
	v23 =	vld [tilespmem:$0x1FF00]  }
0xd5: {  	v37 =	vsub.f32 v31, v21;
	v31 =	vld [tilespmem:$0x1FF80]  }
0xd6: {  	v4 =	vmul.f32 v4, v43;
	v43 =	vld [tilespmem:$0x1FFB0]  }
0xd7: {  	v5 =	vmul.f32 v5, v24;
	v24 =	vld [tilespmem:$0x1FFA0]  }
0xd8: {  	s28 =	sadd.s32 $0x200, s28;
	v33 =	vld [tilespmem:s2+$0xE0];
	v2 =	vmul.f32 v29, v2  }
0xd9: {  	v38 =	vld [tilespmem:s28+$0xC0];
	v8 =	vmul.f32 v30, v8;
	v6 =	vadd.f32 v6, v48  }
0xda: {  	v30 =	vld [tilespmem:s28+$0xD0];
	v2 =	vadd.f32 v2, v31  }
0xdb: {  	v29 =	vsub.f32 v40, v21;
	v40 =	vmul.f32 v63, v50;
	v63 =	vld [tilespmem:s28+$0xF0];
	[tilespmem:s30+$0xFFFFFF10] =	vst v6;
	v6 =	vadd.f32 v8, v43  }
0xdc: {  	v23 =	vsub.f32 v23, v21;
	v21 =	vld [tilespmem:s2+$0xD0];
	[tilespmem:s30+$0xFFFFFF00] =	vst v2;
	v2 =	vadd.f32 v10, v24  }
0xdd: {  	v8 =	vld [tilespmem:s2+$0xF0];
	[tilespmem:s30+$0xFFFFFF30] =	vst v6  }
0xde: {  	v10 =	vld [tilespmem:s28+$0xE0];
	[tilespmem:s30+$0xFFFFFF20] =	vst v2  }
0xdf: {  	v4 =	vadd.f32 v4, v43;
	v6 =	vadd.f32 v7, v48;
	v7 =	vmul.f32 v62, v17;
	v17 =	vld [tilespmem:s28+$0xFFFFFF00]  }
0xe0: {  	v1 =	vmul.f32 v1, v42;
	v2 =	vadd.f32 v9, v31;
	v9 =	vmul.f32 v49, v45;
	v49 =	vld [tilespmem:s2+$0xFFFFFF10]  }
0xe1: {  	v42 =	vmul.f32 v61, v53;
	v44 =	vmul.f32 v58, v54;
	[tilespmem:s30+$0xFFFFFF70] =	vst v4;
	v50 =	vld [tilespmem:s28+$0xFFFFFF10]  }
0xe2: {  	v11 =	vmul.f32 v11, v35;
	v3 =	vmul.f32 v3, v41;
	v46 =	vld [tilespmem:s2+$0xFFFFFF20];
	[tilespmem:s30+$0xFFFFFF40] =	vst v2;
	v2 =	vadd.f32 v5, v24  }
0xe3: {  	[tilespmem:s30+$0xFFFFFF50] =	vst v6;
	v4 =	vld [tilespmem:s28+$0xFFFFFF20];
	v5 =	vmul.f32 v60, v32;
	v32 =	vmul.f32 v27, v55  }
0xe4: {  	v27 =	vmul.f32 v19, v34;
	v34 =	vmul.f32 v22, v26;
	v26 =	vld [tilespmem:s28+$0xFFFFFF30];
	v19 =	vadd.f32 v10, v33;
	[tilespmem:s30+$0xFFFFFF60] =	vst v2  }
0xe5: {  	v6 =	vmul.f32 v57, v51;
	v10 =	vadd.f32 v63, v8;
	v2 =	vadd.f32 v3, v31;
	v51 =	vld [tilespmem:s2+$0xFFFFFF40]  }
0xe6: {  	v3 =	vmul.f32 v52, v25;
	v25 =	vadd.f32 v38, v36;
	v54 =	vld [tilespmem:s28+$0xFFFFFF40];
	[tilespmem:$0x1FE80] =	vst v17;
	v17 =	vadd.f32 v30, v21  }
0xe7: {  	v1 =	vadd.f32 v1, v48;
	v8 =	vmul.f32 v18, v28;
	v22 =	vadd.f32 v10, v19;
	[tilespmem:s30+$0xFFFFFF80] =	vst v2;
	v2 =	vld [tilespmem:s2+$0xFFFFFF30]  }
0xe8: {  	[tilespmem:$0x1FE90] =	vst v11;
	v52 =	vmul.f32 v19, v19;
	v53 =	vmul.f32 v10, v10;
	v55 =	vld [tilespmem:s2+$0xFFFFFF70];
	v21 =	vadd.f32 v17, v25  }
0xe9: {  	[tilespmem:s30+$0xFFFFFF90] =	vst v1;
	v28 =	vmul.f32 v25, v25;
	v11 =	vadd.f32 v4, v46;
	v4 =	vld [tilespmem:s28+$0xFFFFFF50];
	v30 =	vmul.f32 v17, v17  }
0xea: {  	v1 =	vadd.f32 v9, v43;
	v9 =	vld [tilespmem:s2+$0xFFFFFF80];
	v22 =	vadd.f32 v22, v21;
	v21 =	vmul.f32 v20, v29  }
0xeb: {  	v20 =	vmul.f32 v12, v37;
	v28 =	vadd.f32 v30, v28;
	v30 =	vadd.f32 v53, v52;
	v12 =	vld [tilespmem:$0x1FF40]  }
0xec: {  	v0 =	vmul.f32 v0, v39;
	v29 =	vld [tilespmem:s2+$0xFFFFFF50];
	v63 =	vadd.f32 v26, v2  }
0xed: {  	v7 =	vadd.f32 v7, v48;
	v2 =	vld [tilespmem:s2+$0xFFFFFF60];
	(xrf2) =	vadd.scan.msk.f32 $0xffff, v22;
	v22 =	vmul.f32 v14, v23;
	v23 =	vadd.f32 v30, v28  }
0xee: {  	v0 =	vadd.f32 v0, v24;
	v26 =	vmul.f32 v11, v11;
	v28 =	vld [tilespmem:s28+$0xFFFFFF60];
	v30 =	vmul.f32 v63, v63  }
0xef: {  	[tilespmem:s30+$0xFFFFFFD0] =	vst v7;
	(xrf2) =	vadd.scan.msk.f32 $0xffff, v23;
	v23 =	vld [tilespmem:s28+$0xFFFFFF70]  }
0xf0: {  	v18 =	vadd.f32 v50, v49;
	v12 =	vmul.f32 v13, v12;
	v49 =	vadd.f32 v30, v26;
	v26 =	vld [tilespmem:s28+$0xFFFFFF80];
	[tilespmem:s30+$0xFFFFFFA0] =	vst v0  }
0xf1: {  	v47 =	vmul.f32 v59, v56;
	v6 =	vadd.f32 v6, v48;
	v5 =	vadd.f32 v5, v43;
	v56 =	vld [tilespmem:s2+$0xFFFFFF90];
	[tilespmem:s30+$0xFFFFFFB0] =	vst v1  }
0xf2: {  	v33 =	vadd.f32 v54, v51;
	v29 =	vadd.f32 v4, v29;
	[tilespmem:$0x1FEA0] =	vst v12;
	v12 =	vld [tilespmem:$0x1FF50]  }
0xf3: {  	v34 =	vadd.f32 v34, v24;
	[tilespmem:s30+$0xFFFFFFF0] =	vst v5;
	v0 =	vadd.f32 v40, v31;
	v1 =	vld [tilespmem:s28+$0xFFFFFF90]  }
0xf4: {  	v14 =	vmovc v31;
	v4 =	vmul.f32 v33, v33;
	v31 =	vadd.f32 v28, v2;
	v28 =	vmul.f32 v29, v29;
	v7 =	vld [tilespmem:s28+$0xFFFFFFA0]  }
0xf5: {  	v8 =	vadd.f32 v8, v43;
	[tilespmem:s30+$0xFFFFFFC0] =	vst v0;
	v0 =	vadd.f32 v42, v24;
	v5 =	vld [tilespmem:s28+$0xFFFFFFB0]  }
0xf6: {  	v3 =	vadd.f32 v3, v43;
	v4 =	vadd.f32 v28, v4;
	v28 =	vld [tilespmem:s2+$0xFFFFFFA0]  }
0xf7: {  	v23 =	vadd.f32 v23, v55;
	[tilespmem:s30+$0xFFFFFFE0] =	vst v0;
	v30 =	vadd.f32 v26, v9;
	v26 =	vld [tilespmem:s2+$0xFFFFFFB0]  }
0xf8: {  	v2 =	vadd.f32 v29, v33;
	v0 =	vadd.f32 v47, v14;
	v61 =	vld [tilespmem:s2+$0xFFFFFFC0]  }
0xf9: {  	v57 =	vmul.f32 v31, v31;
	v41 =	vld [tilespmem:s28+$0xFFFFFFC0];
	v59 =	vadd.f32 v23, v31;
	v60 =	vmul.f32 v23, v23  }
0xfa: {  	v50 =	vld [tilespmem:s2+$0xFFFFFFF0];
	[tilespmem:s30+$0x0] =	vst v0;
	v0 =	vadd.f32 v44, v24;
	v12 =	vmul.f32 v15, v12;
	v58, _, _ =	vpop (xrf2);
	v42 =	vadd.f32 v1, v56  }
0xfb: {  	[tilespmem:s30+$0x10] =	vst v6;
	v51 =	vld [tilespmem:s28+$0xFFFFFFF0];
	v1 =	vmul.f32 v30, v30;
	v9 =	vmul.f32 $1.562500000e-02, v58;
	v2 =	vadd.f32 v59, v2  }
0xfc: {  	v6 =	vadd.f32 v60, v57;
	[tilespmem:$0x1FEB0] =	vst v12;
	v12 =	vld [tilespmem:$0x1FF60];
	v62, _, _ =	vpop (xrf2);
	v13 =	vadd.f32 v7, v28;
	v7 =	vmul.f32 v42, v42  }
0xfd: {  	v15 =	vadd.f32 v63, v11;
	v28 =	vld [tilespmem:s2+$0xFFFFFFD0];
	v37 =	vmul.f32 $1.562500000e-02, v62;
	v45 =	vmul.f32 v9, v9  }
0xfe: {  	[tilespmem:s30+$0x20] =	vst v0;
	v0 =	vadd.f32 v42, v30;
	(xrf2) =	vadd.scan.msk.f32 $0xffff, v2;
	v2 =	vadd.f32 v6, v4;
	v4 =	vld [tilespmem:s28+$0xFFFFFFD0]  }
0xff: {  	v1 =	vadd.f32 v7, v1;
	v7 =	vld [tilespmem:s28+$0xFFFFFFE0];
	v6 =	vsub.f32 v37, v45  }
0x100: {  	v39 =	vmul.f32 v18, v18;
	[tilespmem:s30+$0x30] =	vst v3;
	v62 =	vadd.f32 v41, v61;
	v45 =	vadd.f32 v5, v26;
	v5 =	vld [tilespmem:s2+$0xFFFFFFE0]  }
0x101: {  	v52 =	vld [tilespmem:s2+$0x0];
	v3 =	vmul.f32 v13, v13;
	(xrf2) =	vadd.scan.msk.f32 $0xffff, v2;
	v2 =	vadd.f32 v32, v14;
	v6 =	vadd.f32 $9.999999740e-06, v6  }
0x102: {  	v53 =	vld [tilespmem:s28+$0x0];
	v32 =	vadd.f32 v51, v50;
	v46 =	vadd.f32 v45, v13;
	v47 =	vmul.f32 v45, v45  }
0x103: {  	v56 =	vld [tilespmem:s2+$0x20];
	[tilespmem:s30+$0x40] =	vst v2;
	v2 =	vadd.f32 v27, v48;
	v61 =	vadd.f32 v4, v28;
	v6 =	vbroadcast v6, $0xF  }
0x104: {  	v57 =	vld [tilespmem:s28+$0x30];
	v16 =	vmul.f32 v16, v12;
	v0 =	vadd.f32 v46, v0;
	v3 =	vadd.f32 v47, v3  }
0x105: {  	[tilespmem:s30+$0x60] =	vst v34;
	v50 =	vld [tilespmem:s2+$0x30];
	v4 =	vmul.f32 v62, v62;
	v28 =	vadd.f32 v7, v5;
	v54 =	vshra.s32 v6, $0x1  }
0x106: {  	v5 =	vld [tilespmem:s2+$0x10];
	v6 =	vmul.f32 $5.000000000e-01, v6;
	(xrf2) =	vadd.scan.msk.f32 $0xffff, v0;
	v0 =	vadd.f32 v3, v1;
	v1 =	vmul.f32 v61, v61  }
0x107: {  	[tilespmem:$0x1FEC0] =	vst v11;
	v12 =	vmovc v48;
	v48 =	vmul.f32 v32, v32;
	v34 =	vadd.f32 v53, v52;
	v3 =	vld [tilespmem:s28+$0x10];
	v7 =	vsub.s32 $0x5F3759DF, v54  }
0x108: {  	[tilespmem:s30+$0x50] =	vst v2;
	v36 =	vmul.f32 v28, v28;
	v55 =	vmul.f32 v7, v6;
	v59, _, _ =	vpop (xrf2);
	v1 =	vadd.f32 v1, v4;
	v4 =	vld [tilespmem:s28+$0x20]  }
0x109: {  	v11 =	vmovc v24;
	v24 =	vld [tilespmem:$0x1FE80];
	v2 =	vadd.f32 v61, v62;
	(xrf2) =	vadd.scan.msk.f32 $0xffff, v0;
	v0 =	vadd.f32 v32, v28;
	v60 =	vmul.f32 $1.562500000e-02, v59  }
0x10a: {  	[tilespmem:s30+$0x70] =	vst v8;
	v51 =	vld [tilespmem:s28+$0x80];
	v37 =	vadd.f32 v57, v50;
	v46 =	vadd.f32 v48, v36;
	v40 =	vmul.f32 v7, v55  }
0x10b: {  	v59 =	vld [tilespmem:s28+$0x40];
	v58, _, _ =	vpop (xrf2);
	v0 =	vadd.f32 v0, v2;
	v2 =	vmul.f32 v34, v34;
	v8 =	vmul.f32 v60, v60  }
0x10c: {  	v35 =	vadd.f32 v3, v5;
	v3 =	vld [tilespmem:s2+$0x40];
	v5 =	vmul.f32 $1.562500000e-02, v58;
	v40 =	vsub.f32 $1.500000000e+00, v40  }
0x10d: {  	v44 =	vld [tilespmem:s2+$0x50];
	v53 =	vbroadcast v60, $0xF;
	v1 =	vadd.f32 v46, v1;
	v27 =	vadd.f32 v4, v56  }
0x10e: {  	(xrf2) =	vadd.scan.msk.f32 $0xffff, v0;
	v56 =	vmul.f32 v35, v35;
	v0 =	vsub.f32 v5, v8;
	v5 =	vld [tilespmem:s28+$0x50];
	v7 =	vmul.f32 v7, v40  }
0x10f: {  	v48 =	vld [tilespmem:s2+$0x60];
	v60 =	vmul.f32 v37, v37;
	v4 =	vadd.f32 v35, v34;
	v46 =	vmul.f32 v27, v27  }
0x110: {  	v58 =	vld [tilespmem:s28+$0x60];
	v2 =	vadd.f32 v56, v2;
	v0 =	vadd.f32 $9.999999740e-06, v0;
	v8 =	vmul.f32 v7, v6;
	v57, _, _ =	vpop (xrf2)  }
0x111: {  	v41 =	vld [tilespmem:s28+$0x70];
	(xrf2) =	vadd.scan.msk.f32 $0xffff, v1;
	v1 =	vadd.f32 v37, v27;
	v38 =	vadd.f32 v59, v3;
	v55 =	vmul.f32 $1.562500000e-02, v57  }
0x112: {  	v3 =	vld [tilespmem:s2+$0x70];
	v0 =	vbroadcast v0, $0xF;
	v46 =	vadd.f32 v60, v46;
	v8 =	vmul.f32 v8, v7  }
0x113: {  	v52 =	vld [tilespmem:s2+$0xA0];
	v59, _, _ =	vpop (xrf2);
	v1 =	vadd.f32 v1, v4;
	v26 =	vadd.f32 v5, v44;
	v4 =	vmul.f32 v38, v38  }
0x114: {  	v5 =	vld [tilespmem:s2+$0x80];
	v40 =	vmul.f32 v55, v55;
	v54 =	vmul.f32 $1.562500000e-02, v59;
	v8 =	vsub.f32 $1.500000000e+00, v8  }
0x115: {  	v56 =	vld [tilespmem:s2+$0x90];
	v44 =	vadd.f32 v58, v48;
	v2 =	vadd.f32 v46, v2;
	v57 =	vmul.f32 $5.000000000e-01, v0  }
0x116: {  	v60 =	vmul.f32 v26, v26;
	(xrf2) =	vadd.scan.msk.f32 $0xffff, v1;
	v1 =	vsub.f32 v54, v40;
	v54 =	vld [tilespmem:s28+$0x90];
	v7 =	vmul.f32 v8, v7  }
0x117: {  	v46 =	vadd.f32 v41, v3;
	v3 =	vmul.f32 v44, v44;
	v40 =	vld [tilespmem:s28+$0xA0];
	v8 =	vadd.f32 v26, v38  }
0x118: {  	v4 =	vadd.f32 v60, v4;
	v60 =	vld [tilespmem:s2+$0xFFFFFF00];
	v1 =	vadd.f32 $9.999999740e-06, v1;
	v6 =	vmul.f32 v7, v6  }
0x119: {  	v36, _, _ =	vpop (xrf2);
	(xrf2) =	vadd.scan.msk.f32 $0xffff, v2;
	v2 =	vadd.f32 v46, v44;
	v41 =	vmul.f32 v46, v46;
	v47 =	vadd.f32 v51, v5;
	v5 =	vld [tilespmem:s2+$0xB0]  }
0x11a: {  	v50 =	vmul.f32 $1.562500000e-02, v36;
	v51 =	vld [tilespmem:s28+$0xB0];
	v6 =	vmul.f32 v6, v7  }
0x11b: {  	v1 =	vbroadcast v1, $0xF;
	v2 =	vadd.f32 v2, v8;
	v3 =	vadd.f32 v41, v3;
	v41 =	vld [tilespmem:$0x1FFC0]  }
0x11c: {  	v8 =	vmul.f32 v47, v47;
	v36 =	vadd.f32 v54, v56;
	v6 =	vsub.f32 $1.500000000e+00, v6  }
0x11d: {  	v58 =	vmul.f32 v50, v50;
	v59, _, _ =	vpop (xrf2);
	v54 =	vbroadcast v9, $0xF;
	v9 =	vadd.f32 v40, v52;
	(xrf2) =	vadd.scan.msk.f32 $0xffff, v2  }
0x11e: {  	v2 =	vadd.f32 v3, v4;
	v48 =	vmul.f32 v6, v7;
	v7 =	vmul.f32 v36, v36  }
0x11f: {  	v3 =	vsub.f32 v10, v54;
	v10 =	vadd.f32 v51, v5;
	v5 =	vmul.f32 v9, v9  }
0x120: {  	v51 =	vadd.f32 v24, v60;
	v4 =	vmul.f32 v48, v41;
	v7 =	vadd.f32 v7, v8;
	v8, _, _ =	vpop (xrf2)  }
0x121: {  	[tilespmem:$0x1FEF0] =	vst v9;
	v6 =	vadd.f32 v36, v47;
	v52 =	vmul.f32 $1.562500000e-02, v8;
	v8 =	vmul.f32 v10, v10  }
0x122: {  	(xrf2) =	vadd.scan.msk.f32 $0xffff, v2;
	v2 =	vmul.f32 $1.562500000e-02, v59;
	v3 =	vmul.f32 v4, v3;
	v4 =	vadd.f32 v10, v9  }
0x123: {  	[tilespmem:$0x1FF00] =	vst v10;
	v24, _, _ =	vpop (xrf2);
	v9 =	vadd.f32 v18, v51;
	v10 =	vmul.f32 v51, v51;
	v5 =	vadd.f32 v8, v5  }
0x124: {  	v24 =	vmul.f32 $1.562500000e-02, v24;
	v3 =	vadd.f32 v3, v43;
	v4 =	vadd.f32 v4, v6  }
0x125: {  	v6 =	vadd.f32 v15, v9;
	v8 =	vadd.f32 v39, v10;
	v9 =	vmul.f32 v52, v52  }
0x126: {  	s30 =	sadd.s32 $0x200, s30;
	v10 =	vsub.f32 v2, v58;
	v58 =	vmul.f32 $5.000000000e-01, v1;
	v5 =	vadd.f32 v5, v7  }
0x127: {  	v2, _, _ =	vpop (xrf2);
	[tilespmem:s30+$0xF0] =	vst v3;
	v3 =	vshra.s32 v0, $0x1;
	v7 =	vadd.f32 v49, v8;
	v0 =	vsub.f32 v24, v9  }
0x128: {  	(xrf2) =	vadd.scan.msk.f32 $0xffff, v6;
	v6 =	vshra.s32 v1, $0x1;
	v1 =	vadd.f32 $9.999999740e-06, v10;
	v49 =	vmul.f32 $1.562500000e-02, v2  }
0x129: {  	v3 =	vsub.s32 $0x5F3759DF, v3;
	(xrf2) =	vadd.scan.msk.f32 $0xffff, v4;
	v4 =	vsub.f32 v33, v53;
	v0 =	vadd.f32 $9.999999740e-06, v0  }
0x12a: {  	v2 =	vmul.f32 v3, v57;
	v1 =	vbroadcast v1, $0xF  }
0x12b: {  	v6 =	vsub.s32 $0x5F3759DF, v6;
	[tilespmem:$0x1FF10] =	vst v4;
	v4 =	vmul.f32 v49, v49;
	v0 =	vbroadcast v0, $0xF  }
0x12c: {  	v8, _, _ =	vpop (xrf2);
	v9 =	vshra.s32 v1, $0x1;
	v1 =	vmul.f32 $5.000000000e-01, v1;
	(xrf2) =	vadd.scan.msk.f32 $0xffff, v7;
	v7 =	vmul.f32 v6, v58  }
0x12d: {  	v21 =	vadd.f32 v21, v12;
	v2 =	vmul.f32 v3, v2;
	v8 =	vmul.f32 $1.562500000e-02, v8  }
0x12e: {  	v9 =	vsub.s32 $0x5F3759DF, v9;
	v10 =	vshra.s32 v0, $0x1;
	v7 =	vmul.f32 v6, v7  }
0x12f: {  	v0 =	vmul.f32 $5.000000000e-01, v0;
	v4 =	vsub.f32 v8, v4;
	v8 =	vsub.f32 v29, v53  }
0x130: {  	(xrf2) =	vadd.scan.msk.f32 $0xffff, v5;
	v2 =	vsub.f32 $1.500000000e+00, v2;
	v10 =	vsub.s32 $0x5F3759DF, v10;
	v7 =	vsub.f32 $1.500000000e+00, v7  }
0x131: {  	v5 =	vsub.f32 v31, v53;
	v15 =	vmul.f32 v10, v0;
	[tilespmem:$0x1FF20] =	vst v8;
	v8 =	vmul.f32 v9, v1  }
0x132: {  	v2 =	vmul.f32 v3, v2;
	v4 =	vadd.f32 $9.999999740e-06, v4;
	v24, _, _ =	vpop (xrf2);
	v6 =	vmul.f32 v6, v7  }
0x133: {  	[tilespmem:$0x1FF30] =	vst v5;
	v5 =	vmul.f32 v9, v8;
	v33 =	vmul.f32 $1.562500000e-02, v24  }
0x134: {  	[tilespmem:s29+$0x90] =	vst v21;
	v21 =	vadd.f32 v22, v43;
	v4 =	vbroadcast v4, $0xF;
	v24 =	vbroadcast v55, $0xF;
	v55, _, _ =	vpop (xrf2)  }
0x135: {  	v3 =	vsub.f32 v23, v53;
	v8 =	vmul.f32 v10, v15;
	v59 =	vmul.f32 $1.562500000e-02, v55  }
0x136: {  	v5 =	vsub.f32 $1.500000000e+00, v5;
	v29 =	vmul.f32 v33, v33;
	v31 =	vshra.s32 v4, $0x1  }
0x137: {  	[tilespmem:s29+$0xB0] =	vst v21;
	v4 =	vmul.f32 $5.000000000e-01, v4;
	v8 =	vsub.f32 $1.500000000e+00, v8;
	v7 =	vsub.f32 v30, v24  }
0x138: {  	[tilespmem:$0x1FEE0] =	vst v3;
	v42 =	vsub.f32 v42, v24;
	v31 =	vsub.s32 $0x5F3759DF, v31;
	v21 =	vbroadcast v59, $0xF  }
0x139: {  	v39 =	vsub.f32 v13, v24;
	v23, _, _ =	vpop (xrf2);
	v3 =	vmul.f32 v31, v4;
	[tilespmem:$0x1FED0] =	vst v7;
	v7 =	vmul.f32 v59, v59  }
0x13a: {  	v13 =	vsub.f32 v25, v54;
	v15 =	vmul.f32 $1.562500000e-02, v23;
	v5 =	vmul.f32 v9, v5  }
0x13b: {  	v45 =	vsub.f32 v45, v24;
	v8 =	vmul.f32 v10, v8;
	v10 =	vmul.f32 v2, v57;
	v23, _, _ =	vpop (xrf2)  }
0x13c: {  	[tilespmem:$0x1FF40] =	vst v13;
	v13 =	vsub.f32 v17, v54;
	v23 =	vmul.f32 $1.562500000e-02, v23;
	v3 =	vmul.f32 v31, v3  }
0x13d: {  	v9 =	vsub.f32 v15, v29;
	v29 =	vmul.f32 v6, v58;
	v24 =	vmul.f32 v5, v1  }
0x13e: {  	v10 =	vmul.f32 v10, v2;
	v30 =	vmul.f32 v8, v0;
	v7 =	vsub.f32 v23, v7  }
0x13f: {  	[tilespmem:$0x1FF50] =	vst v13;
	v13 =	vld [tilespmem:$0x1FE90];
	v3 =	vsub.f32 $1.500000000e+00, v3;
	v9 =	vadd.f32 $9.999999740e-06, v9;
	v25 =	vmul.f32 v29, v6  }
0x140: {  	v24 =	vmul.f32 v24, v5;
	v30 =	vmul.f32 v30, v8;
	v10 =	vsub.f32 $1.500000000e+00, v10  }
0x141: {  	v7 =	vadd.f32 $9.999999740e-06, v7;
	v3 =	vmul.f32 v31, v3;
	v9 =	vbroadcast v9, $0xF  }
0x142: {  	v25 =	vsub.f32 $1.500000000e+00, v25;
	v24 =	vsub.f32 $1.500000000e+00, v24;
	v2 =	vmul.f32 v10, v2  }
0x143: {  	v30 =	vsub.f32 $1.500000000e+00, v30;
	v7 =	vbroadcast v7, $0xF;
	v23 =	vmul.f32 v3, v4  }
0x144: {  	v40 =	vmovc v18;
	v18 =	vadd.f32 v13, v14;
	v13 =	vbroadcast v49, $0xF;
	v29 =	vshra.s32 v9, $0x1  }
0x145: {  	v60 =	vshra.s32 v7, $0x1;
	v7 =	vmul.f32 $5.000000000e-01, v7;
	v23 =	vmul.f32 v23, v3  }
0x146: {  	v9 =	vmul.f32 $5.000000000e-01, v9;
	v6 =	vmul.f32 v25, v6;
	v53 =	vsub.s32 $0x5F3759DF, v60  }
0x147: {  	v29 =	vsub.s32 $0x5F3759DF, v29;
	v10 =	vsub.f32 $1.500000000e+00, v23;
	v23 =	vmul.f32 v53, v7  }
0x148: {  	v5 =	vmul.f32 v24, v5;
	v31 =	vmul.f32 v29, v9  }
0x149: {  	v8 =	vmul.f32 v30, v8;
	v23 =	vmul.f32 v53, v23  }
0x14a: {  	v25 =	vbroadcast v52, $0xF;
	v31 =	vmul.f32 v29, v31  }
0x14b: {  	v3 =	vmul.f32 v10, v3;
	v10 =	vsub.f32 v19, v54;
	v23 =	vsub.f32 $1.500000000e+00, v23  }
0x14c: {  	v1 =	vmul.f32 v5, v1;
	v0 =	vmul.f32 v8, v0;
	v31 =	vsub.f32 $1.500000000e+00, v31  }
0x14d: {  	[tilespmem:$0x1FF60] =	vst v10;
	v10 =	vmul.f32 v2, v57;
	v23 =	vmul.f32 v53, v23  }
0x14e: {  	v19 =	vmul.f32 v6, v58;
	v17 =	vmul.f32 v29, v31  }
0x14f: {  	[tilespmem:s29+$0x80] =	vst v18;
	v18 =	vadd.f32 v20, v11;
	v10 =	vmul.f32 v10, v2;
	v20 =	vmul.f32 v23, v7  }
0x150: {  	v55 =	vsub.f32 v38, v13;
	v0 =	vmul.f32 v0, v8;
	v19 =	vmul.f32 v19, v6  }
0x151: {  	[tilespmem:s29+$0xA0] =	vst v18;
	v24 =	vmul.f32 v17, v9;
	v10 =	vsub.f32 $1.500000000e+00, v10;
	v18 =	vmul.f32 v20, v23  }
0x152: {  	v43 =	vld [tilespmem:$0x1FFD0];
	v1 =	vmul.f32 v1, v5;
	v0 =	vsub.f32 $1.500000000e+00, v0;
	v19 =	vsub.f32 $1.500000000e+00, v19  }
0x153: {  	v24 =	vmul.f32 v24, v17;
	v20 =	vmul.f32 v10, v2;
	v2 =	vsub.f32 $1.500000000e+00, v18  }
0x154: {  	v56 =	vsub.f32 v34, v25;
	v4 =	vmul.f32 v3, v4;
	v15 =	vmul.f32 v0, v8  }
0x155: {  	v22 =	vsub.f32 $1.500000000e+00, v24;
	v18 =	vmul.f32 v19, v6;
	v19 =	vmul.f32 v2, v23;
	v2 =	vld [tilespmem:$0x1FEA0]  }
0x156: {  	v34 =	vsub.f32 v26, v13;
	v26 =	vsub.f32 v44, v13;
	v4 =	vmul.f32 v4, v3  }
0x157: {  	v1 =	vsub.f32 $1.500000000e+00, v1;
	v58 =	vmul.f32 v15, v43;
	v17 =	vmul.f32 v22, v17  }
0x158: {  	v54 =	vsub.f32 v27, v25;
	v52 =	vmul.f32 v15, v41;
	v22 =	vbroadcast v50, $0xF  }
0x159: {  	v4 =	vsub.f32 $1.500000000e+00, v4;
	v9 =	vmul.f32 v17, v9;
	v0 =	vmul.f32 v19, v7  }
0x15a: {  	v50 =	vsub.f32 v62, v22;
	v2 =	vadd.f32 v2, v14;
	v14 =	vmul.f32 v1, v5;
	v1 =	vld [tilespmem:$0x1FEB0]  }
0x15b: {  	v53 =	vsub.f32 v28, v22;
	v0 =	vmul.f32 v0, v19;
	v5 =	vbroadcast v33, $0xF;
	v33 =	vld [tilespmem:$0x1FFE0]  }
0x15c: {  	v49 =	vmul.f32 v18, v41;
	v32 =	vsub.f32 v32, v22;
	v6 =	vmul.f32 v9, v17  }
0x15d: {  	v0 =	vsub.f32 $1.500000000e+00, v0;
	[tilespmem:s29+$0xC0] =	vst v2;
	v2 =	vadd.f32 v16, v11;
	v16 =	vmul.f32 v4, v3  }
0x15e: {  	v6 =	vsub.f32 $1.500000000e+00, v6;
	v4 =	vmul.f32 v20, v41;
	v60 =	vmul.f32 v14, v41  }
0x15f: {  	v3 =	vld [tilespmem:$0x1FEC0];
	v8 =	vsub.f32 v63, v5;
	v31 =	vmul.f32 v0, v19;
	v0 =	vmul.f32 v18, v43  }
0x160: {  	v1 =	vadd.f32 v1, v12;
	v9 =	vmul.f32 v20, v33;
	v63 =	vmul.f32 v14, v33  }
0x161: {  	v28 =	vsub.f32 v46, v13;
	v59 =	vmul.f32 v15, v33;
	v27 =	vmul.f32 v16, v33  }
0x162: {  	v11 =	vmul.f32 v31, v33;
	[tilespmem:s29+$0xD0] =	vst v1;
	v1 =	vmul.f32 v6, v17;
	v6 =	vsub.f32 v40, v5;
	v40 =	vld [tilespmem:$0x1FFF0]  }
0x163: {  	[tilespmem:s29+$0xE0] =	vst v2;
	v2 =	vsub.f32 v51, v5;
	v12 =	vmul.f32 v31, v43;
	v13 =	vmul.f32 v48, v33  }
0x164: {  	v24 =	vsub.f32 v3, v5;
	v5 =	vmul.f32 v20, v43;
	v3 =	vmul.f32 v18, v33  }
0x165: {  	v17 =	vsub.f32 v61, v22;
	v61 =	vmul.f32 v14, v43;
	v22 =	vmul.f32 v16, v43  }
0x166: {  	s31 =	sadd.s32 $0x8, s31;
	v29 =	vmul.f32 v1, v33;
	v10 =	vmul.f32 v1, v43  }
0x167: {  	p1 =	slt.u32 s31, $0xC0;
	v30 =	vmul.f32 v1, v41;
	v23 =	vmul.f32 v1, v40  }
.Ltmp2:
0x168: {  	v7 =	vmul.f32 v20, v40;
	v1 =	vmul.f32 v18, v40;
	(pc) =	sbr.rel @p1 .LBB2_3-.Ltmp2, $4  }
0x169: {  	v62 =	vmul.f32 v14, v40;
	v57 =	vmul.f32 v15, v40  }
0x16a: {  	v51 =	vsub.f32 v35, v25;
	v19 =	vmul.f32 v16, v40;
	v18 =	vmul.f32 v16, v41  }
0x16b: {  	v25 =	vsub.f32 v37, v25;
	v20 =	vmul.f32 v31, v40;
	v14 =	vmul.f32 v31, v41;
	v41 =	vld [tilespmem:$0x1FED0]  }
0x16c: {  	s2 =	sadd.s32 $0x200, s2;
	v35 =	vsub.f32 v47, v21;
	s29 =	smov.u32 s30;
	v15 =	vmul.f32 v48, v40;
	v40 =	vmovc v36;
	v16 =	vmul.f32 v48, v43;
	v43 =	vld [tilespmem:$0x1FEE0]  }
0x16d: {  	v31 =	vld [tilespmem:$0x1FF80];
	_ =	sdelay $0x2  }
0x16e: {  	v2 =	vmul.f32 v29, v2;
	_ =	sdelay $0x1  }
0x16f: {  	v2 =	vadd.f32 v2, v31  }
0x170: {  	v29 =	vld [tilespmem:$0x1FF90]  }
0x171: {  	v6 =	vmul.f32 v23, v6;
	v23 =	vld [tilespmem:$0x1FF10];
	[tilespmem:s30+$0xFFFFFF00] =	vst v2  }
0x172: {  	v10 =	vmul.f32 v10, v24;
	v24 =	vld [tilespmem:$0x1FFA0];
	_ =	sdelay $0x2  }
0x173: {  	v6 =	vadd.f32 v6, v29;
	_ =	sdelay $0x1  }
0x174: {  	v2 =	vadd.f32 v10, v24;
	v10 =	vld [tilespmem:$0x1FF20];
	[tilespmem:s30+$0xFFFFFF10] =	vst v6  }
0x175: {  	v9 =	vmul.f32 v9, v23;
	v23 =	vld [tilespmem:$0x1FFB0];
	_ =	sdelay $0x2  }
0x176: {  	v8 =	vmul.f32 v30, v8;
	_ =	sdelay $0x1  }
0x177: {  	v6 =	vadd.f32 v8, v23;
	v8 =	vld [tilespmem:$0x1FF30]  }
0x178: {  	v1 =	vmul.f32 v1, v42  }
0x179: {  	v0 =	vmul.f32 v0, v39  }
0x17a: {  	v1 =	vadd.f32 v1, v29  }
0x17b: {  	v4 =	vmul.f32 v4, v43;
	v0 =	vadd.f32 v0, v24;
	[tilespmem:s30+$0xFFFFFF20] =	vst v2  }
0x17c: {  	v2 =	vadd.f32 v9, v31;
	[tilespmem:s30+$0xFFFFFF90] =	vst v1;
	v5 =	vmul.f32 v5, v8  }
0x17d: {  	v4 =	vadd.f32 v4, v23;
	[tilespmem:s30+$0xFFFFFFA0] =	vst v0  }
0x17e: {  	v3 =	vmul.f32 v3, v41;
	[tilespmem:s30+$0xFFFFFF40] =	vst v2;
	v2 =	vadd.f32 v5, v24  }
0x17f: {  	v7 =	vmul.f32 v7, v10;
	[tilespmem:s30+$0xFFFFFF70] =	vst v4  }
0x180: {  	v4 =	vmul.f32 v63, v50;
	[tilespmem:s30+$0xFFFFFF60] =	vst v2;
	v2 =	vadd.f32 v3, v31  }
0x181: {  	[tilespmem:s30+$0xFFFFFF30] =	vst v6;
	v6 =	vadd.f32 v7, v29;
	v3 =	vmul.f32 v49, v45  }
0x182: {  	v0 =	vadd.f32 v4, v31;
	[tilespmem:s30+$0xFFFFFF80] =	vst v2;
	v2 =	vmul.f32 v62, v17  }
0x183: {  	[tilespmem:s30+$0xFFFFFF50] =	vst v6;
	v1 =	vadd.f32 v3, v23;
	v3 =	vmul.f32 v61, v53  }
0x184: {  	v4 =	vmul.f32 v60, v32;
	[tilespmem:s30+$0xFFFFFFC0] =	vst v0;
	v2 =	vadd.f32 v2, v29  }
0x185: {  	[tilespmem:s30+$0xFFFFFFB0] =	vst v1;
	v1 =	vmul.f32 v59, v56;
	v0 =	vadd.f32 v3, v24  }
0x186: {  	v4 =	vadd.f32 v4, v23;
	v3 =	vmul.f32 v57, v51;
	[tilespmem:s30+$0xFFFFFFD0] =	vst v2  }
0x187: {  	v2 =	vmul.f32 v58, v54;
	[tilespmem:s30+$0xFFFFFFE0] =	vst v0;
	v0 =	vadd.f32 v1, v31  }
0x188: {  	[tilespmem:s30+$0xFFFFFFF0] =	vst v4;
	v1 =	vmul.f32 v52, v25;
	v3 =	vadd.f32 v3, v29  }
0x189: {  	v4 =	vmul.f32 v27, v55;
	[tilespmem:s30+$0x0] =	vst v0;
	v0 =	vadd.f32 v2, v24  }
0x18a: {  	v1 =	vadd.f32 v1, v23;
	[tilespmem:s30+$0x10] =	vst v3  }
0x18b: {  	v2 =	vmul.f32 v19, v34;
	[tilespmem:s30+$0x20] =	vst v0;
	v0 =	vadd.f32 v4, v31  }
0x18c: {  	v3 =	vmul.f32 v22, v26;
	[tilespmem:s30+$0x30] =	vst v1  }
0x18d: {  	v1 =	vadd.f32 v2, v29;
	v2 =	vld [tilespmem:$0x1FEF0];
	[tilespmem:s30+$0x40] =	vst v0  }
0x18e: {  	v0 =	vadd.f32 v3, v24;
	v3 =	vld [tilespmem:$0x1FF00];
	_ =	sdelay $0x1  }
0x18f: {  	v5 =	vmul.f32 v18, v28;
	v4 =	vsub.f32 v40, v21  }
0x190: {  	v6 =	vmul.f32 v11, v35  }
0x191: {  	v4 =	vmul.f32 v20, v4;
	[tilespmem:s30+$0x50] =	vst v1;
	v1 =	vadd.f32 v5, v23;
	v2 =	vsub.f32 v2, v21  }
0x192: {  	[tilespmem:s30+$0x60] =	vst v0;
	v0 =	vadd.f32 v6, v31;
	v3 =	vsub.f32 v3, v21  }
0x193: {  	[tilespmem:s30+$0x70] =	vst v1;
	v1 =	vadd.f32 v4, v29;
	v2 =	vmul.f32 v12, v2  }
0x194: {  	v4 =	vld [tilespmem:$0x1FF40];
	[tilespmem:s29+$0x80] =	vst v0;
	v3 =	vmul.f32 v14, v3  }
0x195: {  	v0 =	vadd.f32 v2, v24;
	v2 =	vld [tilespmem:$0x1FF50];
	[tilespmem:s29+$0x90] =	vst v1  }
0x196: {  	v1 =	vadd.f32 v3, v23;
	v3 =	vld [tilespmem:$0x1FF60];
	_ =	sdelay $0x2  }
0x197: {  	v4 =	vmul.f32 v13, v4  }
0x198: {  	v2 =	vmul.f32 v15, v2  }
0x199: {  	[tilespmem:s29+$0xA0] =	vst v0;
	v0 =	vadd.f32 v4, v31;
	v3 =	vmul.f32 v16, v3  }
0x19a: {  	s2 =	sadd.s32 s6, s26;
	[tilespmem:s29+$0xB0] =	vst v1;
	v1 =	vadd.f32 v2, v29  }
0x19b: {  	s2 =	smul.u32 $0x640, s2;
	[tilespmem:s29+$0xC0] =	vst v0;
	v0 =	vadd.f32 v3, v24  }
0x19c: {  	p1 =	seq.s32 s25, $0x3F;
	[tilespmem:s29+$0xD0] =	vst v1  }
0x19d: {  	s28 =	smul.u32 @!p1 $0x640, s25;
	s2 =	sadd.s32 s4, s2;
	[tilespmem:s29+$0xE0] =	vst v0  }
0x19e: {  	[hbm4b:s2+s5] =	stream.linear.scatter [tilespmem:s19], [sflag:$0x3], $0x3200, $0x38;
	[tilespmem:$0x15E80] =	vst v63  }
0x19f: {  	s2 =	sshra.s32 @!p1 s28, $0x2  }
0x1a0: {  	s29 =	simm.s32 @!p1 $0x6400;
	s28 =	simm.s32 @!p1 $0xC8;
	s2 =	sadd.s32 @!p1 $0x190, s2  }
0x1a1: {  	[tilespmem:s29], [sflag:$0x1] =	stream.indirect.gather @!p1 [hbm4b:s7+s28], $0x40, s2, s28, $0xb8;
	[tilespmem:$0x15E80] =	vst v63  }
0x1a2: {  	_ =	swait.ge [sflag:s20], $0x3200  }
0x1a3: {  	[sflag:s20] =	ssyncset.done $0x0  }
0x1a4: {  	s2 =	simm.s32 @!p0 $0x4;
	[sflag:s20] =	ssyncadd.s32 $0xFFFFCE00  }
0x1a5: {  	_ =	swait.ge @!p0 [sflag:s2], $0x3200  }
0x1a6: {  	[sflag:s2] =	ssyncset.done @!p0 $0x0  }
0x1a7: {  	[sflag:s2] =	ssyncadd.s32 @!p0 $0xFFFFCE00;
	s2 =	simm.s32 $0x9700  }
0x1a8: {  	s28 =	simm.s32 $0x12D00;
	v0 =	vld [tilespmem:s2+$0xC0]  }
0x1a9: {  	v1 =	vld [tilespmem:s28+$0xC0]  }
0x1aa: {  	v2 =	vld [tilespmem:s2+$0xD0]  }
0x1ab: {  	v3 =	vld [tilespmem:s28+$0xD0]  }
0x1ac: {  	v4 =	vld [tilespmem:s2+$0xE0]  }
0x1ad: {  	v5 =	vld [tilespmem:s28+$0xE0]  }
0x1ae: {  	v6 =	vld [tilespmem:s2+$0xF0]  }
0x1af: {  	v7 =	vld [tilespmem:s28+$0xF0]  }
0x1b0: {  	v8 =	vld [tilespmem:s2+$0xFFFFFF10]  }
0x1b1: {  	v9 =	vld [tilespmem:s28+$0xFFFFFF10]  }
0x1b2: {  	v13 =	vld [tilespmem:s2+$0xFFFFFF20]  }
0x1b3: {  	v17 =	vld [tilespmem:s28+$0xFFFFFF40]  }
0x1b4: {  	v18 =	vld [tilespmem:s28+$0xFFFFFF50]  }
0x1b5: {  	v19 =	vld [tilespmem:s2+$0xFFFFFF60];
	v16 =	vadd.f32 v1, v0;
	v12 =	vadd.f32 v3, v2  }
0x1b6: {  	v20 =	vld [tilespmem:s2+$0xFFFFFF80];
	v56 =	vadd.f32 v5, v4;
	v10 =	vadd.f32 v7, v6  }
0x1b7: {  	v22 =	vld [tilespmem:s28+$0xFFFFFF80];
	v2 =	vadd.f32 v12, v16  }
0x1b8: {  	v0 =	vld [tilespmem:s28+$0xFFFFFF20];
	v4 =	vadd.f32 v10, v56;
	v5 =	vmul.f32 v16, v16;
	v6 =	vmul.f32 v12, v12  }
0x1b9: {  	v1 =	vld [tilespmem:s2+$0xFFFFFF30];
	v14 =	vmul.f32 v56, v56;
	v15 =	vmul.f32 v10, v10  }
0x1ba: {  	v3 =	vld [tilespmem:s28+$0xFFFFFF30];
	v2 =	vadd.f32 v4, v2  }
0x1bb: {  	v7 =	vld [tilespmem:s2+$0xFFFFFF40];
	v5 =	vadd.f32 v6, v5;
	v6 =	vadd.f32 v15, v14  }
0x1bc: {  	v4 =	vld [tilespmem:s2+$0xFFFFFF50]  }
0x1bd: {  	(xrf2) =	vadd.scan.msk.f32 $0xffff, v2;
	v2 =	vadd.f32 v6, v5;
	v5 =	vld [tilespmem:s28+$0xFFFFFF60]  }
0x1be: {  	v6 =	vld [tilespmem:s2+$0xFFFFFF70]  }
0x1bf: {  	(xrf2) =	vadd.scan.msk.f32 $0xffff, v2;
	v2 =	vld [tilespmem:s28+$0xFFFFFF70]  }
0x1c0: {  	v14 =	vadd.f32 v9, v8;
	v8 =	vld [tilespmem:s2+$0xFFFFFF90]  }
0x1c1: {  	v15 =	vadd.f32 v0, v13;
	v58 =	vadd.f32 v3, v1;
	v0 =	vld [tilespmem:s28+$0xFFFFFF90]  }
0x1c2: {  	v24 =	vadd.f32 v17, v7;
	v1 =	vld [tilespmem:s2+$0xFFFFFFA0]  }
0x1c3: {  	v3 =	vmul.f32 v15, v15;
	v29 =	vadd.f32 v18, v4;
	v4 =	vmul.f32 v58, v58;
	v18 =	vld [tilespmem:s28+$0xFFFFFFB0]  }
0x1c4: {  	v28 =	vadd.f32 v5, v19;
	v5 =	vld [tilespmem:s2+$0xFFFFFFB0];
	v21 =	vadd.f32 v2, v6  }
0x1c5: {  	v30 =	vadd.f32 v22, v20;
	v41 =	vadd.f32 v4, v3;
	v2 =	vld [tilespmem:s28+$0xFFFFFFA0]  }
0x1c6: {  	v33 =	vld [tilespmem:s28+$0xFFFFFF00];
	v3 =	vmul.f32 v29, v29;
	v6 =	vmul.f32 v24, v24;
	v17 =	vadd.f32 v21, v28  }
0x1c7: {  	v26 =	vld [tilespmem:s28+$0xFFFFFFC0];
	v11 =	vadd.f32 v0, v8;
	v7 =	vadd.f32 v29, v24  }
0x1c8: {  	v20 =	vld [tilespmem:s28+$0xFFFFFFF0];
	v19 =	vmul.f32 v28, v28;
	v25 =	vmul.f32 v21, v21;
	v3 =	vadd.f32 v3, v6;
	v9, _, _ =	vpop (xrf2)  }
0x1c9: {  	v57 =	vadd.f32 v18, v5;
	v5 =	vld [tilespmem:s2+$0xFFFFFFF0];
	v9 =	vmul.f32 $1.562500000e-02, v9;
	v7 =	vadd.f32 v17, v7  }
0x1ca: {  	v8 =	vld [tilespmem:s2+$0xFFFFFFE0];
	v0 =	vadd.f32 v25, v19;
	v32 =	vadd.f32 v2, v1;
	v17, _, _ =	vpop (xrf2)  }
0x1cb: {  	v1 =	vld [tilespmem:s28+$0xFFFFFFE0];
	(xrf2) =	vadd.scan.msk.f32 $0xffff, v7;
	v6 =	vmul.f32 $1.562500000e-02, v17;
	v17 =	vmul.f32 v9, v9  }
0x1cc: {  	v4 =	vld [tilespmem:s2+$0xFFFFFFC0];
	v22 =	vmul.f32 v57, v57;
	v0 =	vadd.f32 v0, v3;
	v18 =	vmul.f32 v32, v32  }
0x1cd: {  	v27 =	vld [tilespmem:s2+$0xFFFFFFD0];
	v2 =	vmul.f32 v11, v11;
	v19 =	vadd.f32 v57, v32;
	v6 =	vsub.f32 v6, v17  }
0x1ce: {  	v7 =	vld [tilespmem:s28+$0xFFFFFFD0];
	v20 =	vadd.f32 v20, v5;
	v17 =	vmul.f32 v30, v30;
	v22 =	vadd.f32 v22, v18  }
0x1cf: {  	v47 =	vld [tilespmem:s2+$0x10];
	v3 =	vadd.f32 $9.999999740e-06, v6;
	v6 =	vadd.f32 v11, v30  }
0x1d0: {  	v48 =	vld [tilespmem:s28+$0x20];
	(xrf2) =	vadd.scan.msk.f32 $0xffff, v0;
	v18 =	vadd.f32 v1, v8;
	v2 =	vadd.f32 v2, v17  }
0x1d1: {  	v25 =	vld [tilespmem:s2+$0x0];
	v17 =	vadd.f32 v26, v4;
	v3 =	vbroadcast v3, $0xF;
	v4 =	vadd.f32 v19, v6  }
0x1d2: {  	v42 =	vadd.f32 v58, v15;
	v38 =	vmul.f32 v20, v20;
	v5 =	vmul.f32 v18, v18;
	v6 =	vld [tilespmem:s28+$0x0]  }
0x1d3: {  	v19 =	vadd.f32 v7, v27;
	v26 =	vshra.s32 v3, $0x1;
	v3 =	vmul.f32 $5.000000000e-01, v3;
	(xrf2) =	vadd.scan.msk.f32 $0xffff, v4;
	v4 =	vld [tilespmem:s28+$0x10]  }
0x1d4: {  	v37 =	vld [tilespmem:s2+$0x30];
	v7 =	vmul.f32 v17, v17;
	v2 =	vadd.f32 v22, v2;
	v1 =	vsub.s32 $0x5F3759DF, v26  }
0x1d5: {  	v5 =	vadd.f32 v38, v5;
	v22 =	vmul.f32 v19, v19;
	v26 =	vld [tilespmem:s2+$0x20];
	v27, _, _ =	vpop (xrf2);
	v8 =	vmul.f32 v1, v3  }
0x1d6: {  	v49 =	vld [tilespmem:s28+$0x30];
	v36 =	vadd.f32 v19, v17;
	(xrf2) =	vadd.scan.msk.f32 $0xffff, v2;
	v2 =	vadd.f32 v20, v18;
	v27 =	vmul.f32 $1.562500000e-02, v27  }
0x1d7: {  	v54 =	vld [tilespmem:s28+$0x50];
	v7 =	vadd.f32 v22, v7;
	v22 =	vadd.f32 v6, v25;
	v8 =	vmul.f32 v1, v8  }
0x1d8: {  	v0 =	vmul.f32 v14, v14;
	v2 =	vadd.f32 v2, v36;
	v25 =	vadd.f32 v4, v47;
	v4 =	vld [tilespmem:s28+$0x40]  }
0x1d9: {  	v39 =	vbroadcast v27, $0xF;
	v50 =	vmul.f32 v27, v27;
	v6 =	vsub.f32 $1.500000000e+00, v8;
	v8 =	vld [tilespmem:s2+$0x40]  }
0x1da: {  	v55 =	vld [tilespmem:s2+$0x60];
	v5 =	vadd.f32 v5, v7;
	v51 =	vmul.f32 v22, v22;
	v27, _, _ =	vpop (xrf2);
	v26 =	vadd.f32 v48, v26  }
0x1db: {  	v60 =	vld [tilespmem:s28+$0x60];
	v52 =	vmul.f32 $1.562500000e-02, v27;
	v44 =	vmul.f32 v25, v25;
	v27 =	vadd.f32 v49, v37  }
0x1dc: {  	(xrf2) =	vadd.scan.msk.f32 $0xffff, v2;
	v53 =	vadd.f32 v25, v22;
	v1 =	vmul.f32 v1, v6;
	v6 =	vld [tilespmem:s2+$0x50];
	v7 =	vmul.f32 v26, v26  }
0x1dd: {  	v63 =	vld [tilespmem:s28+$0x80];
	v36 =	vsub.f32 v52, v50;
	v61 =	vadd.f32 v27, v26;
	v47 =	vmul.f32 v27, v27  }
0x1de: {  	v48 =	vld [tilespmem:s2+$0x80];
	v44 =	vadd.f32 v44, v51;
	v2 =	vmul.f32 v1, v3;
	v59, _, _ =	vpop (xrf2);
	v34 =	vadd.f32 v4, v8  }
0x1df: {  	v46 =	vld [tilespmem:s2+$0x70];
	v45 =	vmul.f32 $1.562500000e-02, v59;
	v40 =	vadd.f32 v61, v53;
	v7 =	vadd.f32 v47, v7  }
0x1e0: {  	v4 =	vld [tilespmem:s28+$0x70];
	v62, _, _ =	vpop (xrf2);
	v52 =	vadd.f32 $9.999999740e-06, v36;
	v36 =	vadd.f32 v60, v55;
	v2 =	vmul.f32 v2, v1  }
0x1e1: {  	(xrf2) =	vadd.scan.msk.f32 $0xffff, v5;
	v5 =	vmul.f32 $1.562500000e-02, v62;
	v62 =	vld [tilespmem:s2+$0xFFFFFF00];
	v8 =	vmul.f32 v45, v45;
	v35 =	vadd.f32 v54, v6  }
0x1e2: {  	v59 =	vld [tilespmem:s2+$0xB0];
	v6 =	vmul.f32 v34, v34;
	v7 =	vadd.f32 v7, v44;
	v2 =	vsub.f32 $1.500000000e+00, v2  }
0x1e3: {  	v38 =	vadd.f32 v63, v48;
	(xrf2) =	vadd.scan.msk.f32 $0xffff, v40;
	v40 =	vld [tilespmem:s28+$0x90];
	v61 =	vbroadcast v52, $0xF;
	v45 =	vbroadcast v45, $0xF  }
0x1e4: {  	v53 =	vmul.f32 v35, v35;
	v5 =	vsub.f32 v5, v8;
	v1 =	vmul.f32 v2, v1;
	v2 =	vld [tilespmem:s2+$0x90]  }
0x1e5: {  	v60 =	vld [tilespmem:s28+$0xB0];
	v8 =	vadd.f32 v35, v34;
	v37 =	vadd.f32 v4, v46;
	v46 =	vmul.f32 v36, v36  }
0x1e6: {  	v54 =	vld [tilespmem:s28+$0xA0];
	(xrf2) =	vadd.scan.msk.f32 $0xffff, v7;
	v7, _, _ =	vpop (xrf2);
	v5 =	vadd.f32 $9.999999740e-06, v5;
	v47 =	vadd.f32 v33, v62;
	v3 =	vmul.f32 v1, v3  }
0x1e7: {  	v4 =	vld [tilespmem:s2+$0xA0];
	v55 =	vadd.f32 v37, v36;
	v44 =	vmul.f32 $1.562500000e-02, v7;
	v7 =	vmul.f32 v37, v37  }
0x1e8: {  	v6 =	vadd.f32 v53, v6;
	v52 =	vmul.f32 v47, v47;
	v3 =	vmul.f32 v3, v1  }
0x1e9: {  	v13 =	vld [tilespmem:$0x1FFC0];
	v5 =	vbroadcast v5, $0xF;
	v8 =	vadd.f32 v55, v8;
	v40 =	vadd.f32 v40, v2  }
0x1ea: {  	v63 =	vmul.f32 v44, v44;
	v2 =	vadd.f32 v7, v46;
	v3 =	vsub.f32 $1.500000000e+00, v3  }
0x1eb: {  	v50 =	vadd.f32 v60, v59;
	v7 =	vmul.f32 v38, v38;
	v46 =	vbroadcast v9, $0xF;
	(xrf2) =	vadd.scan.msk.f32 $0xffff, v8  }
0x1ec: {  	v43 =	vadd.f32 v54, v4;
	v2 =	vadd.f32 v2, v6;
	v31 =	vmul.f32 v3, v1  }
0x1ed: {  	v0 =	vadd.f32 v0, v52;
	v4 =	vmul.f32 v40, v40;
	v6 =	vsub.f32 v10, v46  }
0x1ee: {  	v9 =	vmul.f32 v43, v43;
	v1 =	vadd.f32 v40, v38;
	v3, _, _ =	vpop (xrf2);
	v8 =	vmul.f32 v31, v13;
	(xrf2) =	vadd.scan.msk.f32 $0xffff, v2  }
0x1ef: {  	v2 =	vadd.f32 v4, v7;
	v4 =	vadd.f32 v50, v43;
	v7 =	vmul.f32 v50, v50;
	v10, _, _ =	vpop (xrf2)  }
0x1f0: {  	v3 =	vmul.f32 $1.562500000e-02, v3;
	v48 =	vmul.f32 $1.562500000e-02, v10;
	v10 =	vadd.f32 v14, v47  }
0x1f1: {  	v44 =	vbroadcast v44, $0xF;
	v1 =	vadd.f32 v4, v1;
	v4 =	vadd.f32 v7, v9  }
0x1f2: {  	[tilespmem:$0x1FDE0] =	vst v50;
	v50, _, _ =	vpop (xrf2);
	v6 =	vmul.f32 v8, v6;
	v8 =	vshra.s32 v61, $0x1;
	v3 =	vsub.f32 v3, v63  }
0x1f3: {  	v33 =	vmul.f32 $1.562500000e-02, v50;
	v7 =	vadd.f32 v42, v10;
	v9 =	vmul.f32 v48, v48  }
0x1f4: {  	v0 =	vadd.f32 v41, v0;
	v8 =	vsub.s32 $0x5F3759DF, v8;
	v3 =	vadd.f32 $9.999999740e-06, v3  }
0x1f5: {  	v2 =	vadd.f32 v4, v2;
	v4 =	vsub.f32 v33, v9;
	(xrf2) =	vadd.scan.msk.f32 $0xffff, v7;
	v7 =	vmul.f32 $5.000000000e-01, v61;
	v10, _, _ =	vpop (xrf2)  }
0x1f6: {  	v6 =	vadd.f32 v6, v23;
	v50 =	vmul.f32 $1.562500000e-02, v10;
	v3 =	vbroadcast v3, $0xF  }
0x1f7: {  	v9 =	vmul.f32 $5.000000000e-01, v5;
	(xrf2) =	vadd.scan.msk.f32 $0xffff, v1;
	v1 =	vshra.s32 v5, $0x1;
	v4 =	vadd.f32 $9.999999740e-06, v4  }
0x1f8: {  	v5 =	vmul.f32 v8, v7;
	v53 =	vmul.f32 v50, v50;
	v54 =	vshra.s32 v3, $0x1;
	v10, _, _ =	vpop (xrf2)  }
0x1f9: {  	v4 =	vbroadcast v4, $0xF;
	(xrf2) =	vadd.scan.msk.f32 $0xffff, v0;
	v0 =	vsub.s32 $0x5F3759DF, v1;
	v10 =	vmul.f32 $1.562500000e-02, v10  }
0x1fa: {  	v1 =	vmul.f32 $5.000000000e-01, v3;
	v3 =	vsub.s32 $0x5F3759DF, v54;
	v5 =	vmul.f32 v8, v5  }
0x1fb: {  	v59 =	vmul.f32 v0, v9;
	(xrf2) =	vadd.scan.msk.f32 $0xffff, v2;
	v55 =	vshra.s32 v4, $0x1;
	v10 =	vsub.f32 v10, v53  }
0x1fc: {  	v4 =	vmul.f32 $5.000000000e-01, v4;
	v60 =	vmul.f32 v3, v1;
	v5 =	vsub.f32 $1.500000000e+00, v5  }
0x1fd: {  	v41 =	vsub.s32 $0x5F3759DF, v55;
	v33 =	vmul.f32 v0, v59;
	v10 =	vadd.f32 $9.999999740e-06, v10  }
0x1fe: {  	v21 =	vsub.f32 v21, v39;
	v2 =	vmul.f32 v41, v4;
	v42 =	vmul.f32 v3, v60  }
0x1ff: {  	[tilespmem:$0x1FE70] =	vst v6;
	v5 =	vmul.f32 v8, v5;
	v33 =	vsub.f32 $1.500000000e+00, v33;
	v6, _, _ =	vpop (xrf2);
	v10 =	vbroadcast v10, $0xF  }
0x200: {  	v2 =	vmul.f32 v41, v2;
	v42 =	vsub.f32 $1.500000000e+00, v42;
	v6 =	vmul.f32 $1.562500000e-02, v6  }
0x201: {  	v62, _, _ =	vpop (xrf2);
	v0 =	vmul.f32 v0, v33;
	v61 =	vshra.s32 v10, $0x1;
	v10 =	vmul.f32 $5.000000000e-01, v10  }
0x202: {  	[tilespmem:$0x1FDD0] =	vst v43;
	v49 =	vmul.f32 $1.562500000e-02, v62;
	v3 =	vmul.f32 v3, v42;
	v43 =	vsub.s32 $0x5F3759DF, v61  }
0x203: {  	v23 =	vsub.f32 v24, v39;
	v62 =	vmul.f32 v5, v7;
	v59, _, _ =	vpop (xrf2);
	v8 =	vmul.f32 v43, v10  }
0x204: {  	v2 =	vsub.f32 $1.500000000e+00, v2;
	v63 =	vmul.f32 v6, v6;
	v60 =	vmul.f32 $1.562500000e-02, v59  }
0x205: {  	[tilespmem:$0x1FDF0] =	vst v23;
	v23 =	vsub.f32 v29, v39;
	v24 =	vmul.f32 v49, v49;
	v61, _, _ =	vpop (xrf2);
	v8 =	vmul.f32 v43, v8  }
0x206: {  	v2 =	vmul.f32 v41, v2;
	v33 =	vsub.f32 v60, v63;
	v41 =	vmul.f32 $1.562500000e-02, v61  }
0x207: {  	v42 =	vmul.f32 v62, v5;
	v59 =	vmul.f32 v3, v1;
	v8 =	vsub.f32 $1.500000000e+00, v8  }
0x208: {  	v29 =	vmul.f32 v2, v4;
	v33 =	vadd.f32 $9.999999740e-06, v33;
	v24 =	vsub.f32 v41, v24  }
0x209: {  	[tilespmem:$0x1FE00] =	vst v23;
	v23 =	vsub.f32 v28, v39;
	v63 =	vmul.f32 v0, v9;
	v8 =	vmul.f32 v43, v8  }
0x20a: {  	v62 =	vmul.f32 v59, v3;
	v33 =	vbroadcast v33, $0xF;
	v24 =	vadd.f32 $9.999999740e-06, v24  }
0x20b: {  	v42 =	vsub.f32 $1.500000000e+00, v42;
	v61 =	vmul.f32 v63, v0;
	v60 =	vmul.f32 v8, v10  }
0x20c: {  	v63 =	vshra.s32 v33, $0x1;
	v33 =	vmul.f32 $5.000000000e-01, v33;
	v24 =	vbroadcast v24, $0xF  }
0x20d: {  	v29 =	vmul.f32 v29, v2;
	v52 =	vsub.s32 $0x5F3759DF, v63;
	v28 =	vmul.f32 v60, v8  }
0x20e: {  	v59 =	vmul.f32 v52, v33;
	v60 =	vshra.s32 v24, $0x1;
	v24 =	vmul.f32 $5.000000000e-01, v24  }
0x20f: {  	v5 =	vmul.f32 v42, v5;
	v51 =	vsub.f32 $1.500000000e+00, v62;
	v54 =	vsub.s32 $0x5F3759DF, v60  }
0x210: {  	v43 =	vsub.f32 $1.500000000e+00, v61;
	v41 =	vmul.f32 v52, v59;
	v61 =	vmul.f32 v54, v24  }
0x211: {  	v29 =	vsub.f32 $1.500000000e+00, v29;
	v7 =	vmul.f32 v5, v7;
	v3 =	vmul.f32 v51, v3  }
0x212: {  	v28 =	vsub.f32 $1.500000000e+00, v28;
	v41 =	vsub.f32 $1.500000000e+00, v41;
	v62 =	vmul.f32 v54, v61  }
0x213: {  	[tilespmem:$0x1FE10] =	vst v23;
	v23 =	vsub.f32 v30, v45;
	v2 =	vmul.f32 v29, v2;
	v7 =	vmul.f32 v7, v5  }
0x214: {  	[tilespmem:$0x1FE20] =	vst v21;
	v8 =	vmul.f32 v28, v8;
	v21 =	vmul.f32 v52, v41;
	v28 =	vsub.f32 $1.500000000e+00, v62  }
0x215: {  	v39 =	vsub.f32 v32, v45;
	v0 =	vmul.f32 v43, v0;
	v1 =	vmul.f32 v3, v1  }
0x216: {  	[tilespmem:$0x1FE30] =	vst v23;
	v53 =	vsub.f32 v18, v44;
	v29 =	vmul.f32 v21, v33;
	v23 =	vmul.f32 v54, v28  }
0x217: {  	v42 =	vsub.f32 v11, v45;
	v4 =	vmul.f32 v2, v4;
	v9 =	vmul.f32 v0, v9  }
0x218: {  	v11 =	vsub.f32 v16, v46;
	v28 =	vmul.f32 v29, v21;
	v29 =	vmul.f32 v23, v24  }
0x219: {  	v7 =	vsub.f32 $1.500000000e+00, v7;
	v1 =	vmul.f32 v1, v3;
	v9 =	vmul.f32 v9, v0  }
0x21a: {  	v10 =	vmul.f32 v8, v10;
	v28 =	vsub.f32 $1.500000000e+00, v28;
	v16 =	vmul.f32 v29, v23  }
0x21b: {  	v4 =	vmul.f32 v4, v2;
	v1 =	vsub.f32 $1.500000000e+00, v1;
	v9 =	vsub.f32 $1.500000000e+00, v9  }
0x21c: {  	v43 =	vld [tilespmem:$0x1FFE0];
	v10 =	vmul.f32 v10, v8;
	v21 =	vmul.f32 v28, v21;
	v16 =	vsub.f32 $1.500000000e+00, v16  }
0x21d: {  	v4 =	vsub.f32 $1.500000000e+00, v4;
	v63 =	vmul.f32 v9, v0;
	v28 =	vmul.f32 v7, v5  }
0x21e: {  	v41 =	vld [tilespmem:$0x1FFD0];
	v7 =	vsub.f32 $1.500000000e+00, v10;
	v5 =	vmul.f32 v21, v33;
	v0 =	vmul.f32 v16, v23  }
0x21f: {  	v16 =	vmul.f32 v1, v3;
	v1 =	vsub.f32 v12, v46;
	v12 =	vmul.f32 v4, v2  }
0x220: {  	v45 =	vsub.f32 v57, v45;
	[tilespmem:$0x1FE40] =	vst v11;
	v3 =	vbroadcast v6, $0xF;
	v11 =	vmul.f32 v7, v8  }
0x221: {  	v4 =	vsub.f32 v56, v46;
	v46 =	vbroadcast v48, $0xF;
	v9 =	vmul.f32 v28, v43  }
0x222: {  	v5 =	vmul.f32 v5, v21;
	[tilespmem:$0x1FE50] =	vst v1;
	v1 =	vmul.f32 v0, v24;
	v24 =	vsub.f32 v15, v3  }
0x223: {  	v33 =	vld [tilespmem:$0x1FFF0];
	v8 =	vsub.f32 v58, v3;
	v61 =	vmul.f32 v16, v41;
	v60 =	vmul.f32 v16, v13  }
0x224: {  	v59 =	vmul.f32 v12, v43;
	v51 =	vsub.f32 v25, v46;
	v58 =	vmul.f32 v12, v41  }
0x225: {  	v25 =	vsub.f32 v27, v46;
	v52 =	vmul.f32 v12, v13;
	v27 =	vmul.f32 v11, v43  }
0x226: {  	v56 =	vsub.f32 v22, v46;
	v22 =	vmul.f32 v11, v41;
	v18 =	vmul.f32 v11, v13  }
0x227: {  	v15 =	vld [tilespmem:$0x1FE70];
	v2 =	vsub.f32 $1.500000000e+00, v5;
	v1 =	vmul.f32 v1, v0;
	v5 =	vmul.f32 v28, v41  }
0x228: {  	v6 =	vsub.f32 v14, v3;
	v7 =	vmul.f32 v28, v33;
	v62 =	vmul.f32 v16, v33  }
0x229: {  	[tilespmem:$0x1FE60] =	vst v4;
	v57 =	vmul.f32 v12, v33;
	v4 =	vmul.f32 v2, v21;
	v2 =	vsub.f32 v47, v3  }
0x22a: {  	v47 =	vbroadcast v50, $0xF;
	v21 =	vbroadcast v49, $0xF;
	v1 =	vsub.f32 $1.500000000e+00, v1  }
0x22b: {  	s30 =	simm.s32 $0xFB00;
	v50 =	vsub.f32 v17, v44;
	v3 =	vmul.f32 v63, v43;
	v49 =	vmul.f32 v63, v13  }
0x22c: {  	v17 =	vsub.f32 v19, v44;
	v19 =	vmul.f32 v11, v33;
	[tilespmem:s30+$0xF0] =	vst v15;
	v15 =	vmul.f32 v31, v33  }
0x22d: {  	v29 =	vmul.f32 v4, v43;
	v23 =	vmul.f32 v4, v33  }
0x22e: {  	v10 =	vmul.f32 v4, v41;
	v14 =	vmul.f32 v1, v0  }
0x22f: {  	v54 =	vsub.f32 v26, v46;
	v30 =	vmul.f32 v4, v13;
	v4 =	vmul.f32 v28, v13  }
0x230: {  	v1 =	vmul.f32 v63, v33;
	v0 =	vmul.f32 v63, v41;
	v28 =	vsub.f32 v20, v44  }
0x231: {  	v63 =	vmul.f32 v16, v43;
	v55 =	vsub.f32 v34, v47;
	v32 =	vsub.f32 v35, v47  }
0x232: {  	v26 =	vsub.f32 v36, v47;
	v16 =	vmul.f32 v31, v41;
	v11 =	vmul.f32 v14, v43  }
0x233: {  	s26 =	sor.u32 $0x1, s26;
	v34 =	vsub.f32 v37, v47;
	v20 =	vmul.f32 v14, v33;
	v12 =	vmul.f32 v14, v41  }
0x234: {  	s31 =	simm.s32 $0x0;
	s29 =	simm.s32 $0xFB00;
	s2 =	simm.s32 $0x9900;
	v35 =	vsub.f32 v38, v21;
	v14 =	vmul.f32 v14, v13;
	v13 =	vmul.f32 v31, v43  }
.LBB2_5:
0x235: {  	v10 =	vmul.f32 v10, v24;
	v24 =	vld [tilespmem:$0x1FDF0];
	_ =	sdelay $0x4  }
0x236: {  	v9 =	vmul.f32 v9, v24;
	v24 =	vld [tilespmem:$0x1FE00];
	_ =	sdelay $0x3  }
0x237: {  	v36 =	vld [tilespmem:s2+$0xC0]  }
0x238: {  	v7 =	vmul.f32 v7, v24;
	v24 =	vld [tilespmem:$0x1FE10]  }
0x239: {  	v31 =	vld [tilespmem:$0x1FDD0]  }
0x23a: {  	v48 =	vld [tilespmem:$0x1FF80]  }
0x23b: {  	v33 =	vld [tilespmem:s2+$0xE0]  }
0x23c: {  	v43 =	vld [tilespmem:$0x1FFB0]  }
0x23d: {  	v11 =	vmul.f32 v11, v35;
	v5 =	vmul.f32 v5, v24;
	v24 =	vld [tilespmem:$0x1FFA0]  }
0x23e: {  	v2 =	vmul.f32 v29, v2;
	v37 =	vsub.f32 v31, v21;
	v31 =	vld [tilespmem:$0x1FF90]  }
0x23f: {  	[tilespmem:$0x1FD80] =	vst v11;
	v11 =	vld [tilespmem:$0x1FE40]  }
0x240: {  	s28 =	sadd.s32 $0x200, s28;
	v6 =	vmul.f32 v23, v6;
	v23 =	vld [tilespmem:$0x1FDE0];
	v2 =	vadd.f32 v2, v48  }
0x241: {  	v38 =	vld [tilespmem:s28+$0xC0]  }
0x242: {  	[tilespmem:s30+$0xFFFFFF00] =	vst v2;
	v2 =	vadd.f32 v10, v24;
	v10 =	vld [tilespmem:$0x1FE20]  }
0x243: {  	v8 =	vmul.f32 v30, v8;
	v30 =	vld [tilespmem:s28+$0xD0];
	v6 =	vadd.f32 v6, v31  }
0x244: {  	v29 =	vsub.f32 v40, v21;
	v40 =	vmul.f32 v63, v50;
	v50 =	vld [tilespmem:s28+$0xF0];
	v11 =	vmul.f32 v13, v11  }
0x245: {  	v23 =	vsub.f32 v23, v21;
	v21 =	vld [tilespmem:s2+$0xD0];
	[tilespmem:s30+$0xFFFFFF10] =	vst v6;
	v6 =	vadd.f32 v8, v43  }
0x246: {  	[tilespmem:$0x1FD90] =	vst v11;
	v11 =	vld [tilespmem:$0x1FE50]  }
0x247: {  	[tilespmem:s30+$0xFFFFFF30] =	vst v6;
	v4 =	vmul.f32 v4, v10;
	v10 =	vld [tilespmem:$0x1FE30]  }
0x248: {  	v8 =	vld [tilespmem:s2+$0xF0];
	[tilespmem:s30+$0xFFFFFF20] =	vst v2  }
0x249: {  	v6 =	vadd.f32 v7, v31;
	v7 =	vmul.f32 v62, v17;
	v2 =	vadd.f32 v9, v48;
	v17 =	vld [tilespmem:s28+$0xFFFFFF00]  }
0x24a: {  	v1 =	vmul.f32 v1, v42;
	v41 =	vld [tilespmem:s2+$0xFFFFFF10]  }
0x24b: {  	v63 =	vmul.f32 v61, v53;
	v47 =	vmul.f32 v59, v56;
	v53 =	vld [tilespmem:s28+$0xFFFFFF10];
	[tilespmem:s30+$0xFFFFFF40] =	vst v2;
	v2 =	vadd.f32 v5, v24  }
0x24c: {  	v44 =	vmul.f32 v58, v54;
	[tilespmem:s30+$0xFFFFFF50] =	vst v6;
	v3 =	vmul.f32 v3, v10;
	v10 =	vld [tilespmem:s28+$0xE0]  }
0x24d: {  	v46 =	vld [tilespmem:s2+$0xFFFFFF20];
	v5 =	vmul.f32 v60, v28;
	v28 =	vmul.f32 v27, v55;
	[tilespmem:s30+$0xFFFFFF60] =	vst v2;
	v4 =	vadd.f32 v4, v43  }
0x24e: {  	v27 =	vmul.f32 v19, v32;
	v32 =	vmul.f32 v22, v26;
	v26 =	vld [tilespmem:s28+$0xFFFFFF30];
	[tilespmem:$0x1FD70] =	vst v17  }
0x24f: {  	v1 =	vadd.f32 v1, v31;
	v11 =	vmul.f32 v15, v11;
	v17 =	vadd.f32 v30, v21;
	[tilespmem:s30+$0xFFFFFF70] =	vst v4;
	v4 =	vld [tilespmem:s28+$0xFFFFFF20]  }
0x250: {  	v55 =	vld [tilespmem:s2+$0xFFFFFF40];
	v2 =	vadd.f32 v3, v48;
	v3 =	vmul.f32 v52, v25;
	v25 =	vadd.f32 v38, v36  }
0x251: {  	v6 =	vmul.f32 v57, v51;
	v58 =	vld [tilespmem:s28+$0xFFFFFF40];
	v19 =	vadd.f32 v10, v33;
	v10 =	vadd.f32 v50, v8  }
0x252: {  	v9 =	vmul.f32 v49, v45;
	v54 =	vmul.f32 v17, v17;
	[tilespmem:s30+$0xFFFFFF80] =	vst v2;
	v2 =	vld [tilespmem:s2+$0xFFFFFF30]  }
0x253: {  	[tilespmem:s30+$0xFFFFFF90] =	vst v1;
	v60 =	vld [tilespmem:s2+$0xFFFFFF70];
	v21 =	vadd.f32 v17, v25;
	v30 =	vmul.f32 v25, v25;
	v22 =	vadd.f32 v10, v19  }
0x254: {  	v1 =	vadd.f32 v9, v43;
	v9 =	vld [tilespmem:s2+$0xFFFFFF80];
	v56 =	vmul.f32 v19, v19;
	v57 =	vmul.f32 v10, v10  }
0x255: {  	v30 =	vadd.f32 v54, v30;
	v22 =	vadd.f32 v22, v21;
	v21 =	vmul.f32 v20, v29;
	v29 =	vld [tilespmem:s2+$0xFFFFFF50]  }
0x256: {  	v20 =	vmul.f32 v12, v37;
	v59 =	vadd.f32 v57, v56;
	v12 =	vadd.f32 v4, v46;
	v4 =	vld [tilespmem:s28+$0xFFFFFF50]  }
0x257: {  	v0 =	vmul.f32 v0, v39;
	v13 =	vadd.f32 v26, v2;
	v2 =	vld [tilespmem:s2+$0xFFFFFF60]  }
0x258: {  	[tilespmem:$0x1FDA0] =	vst v11;
	(xrf2) =	vadd.scan.msk.f32 $0xffff, v22;
	v22 =	vmul.f32 v14, v23;
	v23 =	vadd.f32 v59, v30;
	v30 =	vld [tilespmem:s28+$0xFFFFFF60]  }
0x259: {  	v11 =	vmovc v31;
	v0 =	vadd.f32 v0, v24;
	v26 =	vmul.f32 v12, v12;
	v14 =	vld [tilespmem:$0x1FE60];
	v31 =	vmul.f32 v13, v13  }
0x25a: {  	(xrf2) =	vadd.scan.msk.f32 $0xffff, v23;
	v23 =	vld [tilespmem:s28+$0xFFFFFF70]  }
0x25b: {  	v7 =	vadd.f32 v7, v11;
	v49 =	vadd.f32 v31, v26;
	v26 =	vld [tilespmem:s28+$0xFFFFFF80];
	[tilespmem:s30+$0xFFFFFFA0] =	vst v0  }
0x25c: {  	v5 =	vadd.f32 v5, v43;
	v0 =	vadd.f32 v40, v48;
	v61 =	vld [tilespmem:s2+$0xFFFFFF90];
	[tilespmem:s30+$0xFFFFFFB0] =	vst v1  }
0x25d: {  	v33 =	vadd.f32 v58, v55;
	v29 =	vadd.f32 v4, v29;
	v1 =	vld [tilespmem:s28+$0xFFFFFF90]  }
0x25e: {  	v32 =	vadd.f32 v32, v24;
	[tilespmem:s30+$0xFFFFFFC0] =	vst v0;
	v0 =	vadd.f32 v63, v24;
	v63 =	vld [tilespmem:s2+$0xFFFFFFA0]  }
0x25f: {  	[tilespmem:s30+$0xFFFFFFD0] =	vst v7;
	v4 =	vmul.f32 v33, v33;
	v7 =	vld [tilespmem:s28+$0xFFFFFFA0];
	v31 =	vadd.f32 v30, v2;
	v30 =	vmul.f32 v29, v29  }
0x260: {  	[tilespmem:s30+$0xFFFFFFF0] =	vst v5;
	v3 =	vadd.f32 v3, v43;
	v8 =	vmul.f32 v18, v34;
	v18 =	vadd.f32 v53, v41;
	v5 =	vld [tilespmem:s28+$0xFFFFFFB0]  }
0x261: {  	[tilespmem:s30+$0xFFFFFFE0] =	vst v0;
	v4 =	vadd.f32 v30, v4;
	v30 =	vadd.f32 v26, v9;
	v26 =	vld [tilespmem:s2+$0xFFFFFFB0]  }
0x262: {  	[tilespmem:$0x1FDB0] =	vst v12;
	v15 =	vadd.f32 v13, v12;
	v12 =	vmov v11;
	v0 =	vadd.f32 v47, v48;
	v50 =	vld [tilespmem:s2+$0xFFFFFFC0]  }
0x263: {  	[tilespmem:s30+$0x30] =	vst v3;
	v6 =	vadd.f32 v6, v12;
	v23 =	vadd.f32 v23, v60;
	v52 =	vld [tilespmem:s28+$0xFFFFFFC0]  }
0x264: {  	v8 =	vadd.f32 v8, v43;
	v54 =	vld [tilespmem:s2+$0xFFFFFFD0];
	[tilespmem:s30+$0x0] =	vst v0;
	v0 =	vadd.f32 v44, v24  }
0x265: {  	v2 =	vadd.f32 v29, v33;
	[tilespmem:s30+$0x10] =	vst v6;
	v62 =	vmul.f32 v31, v31;
	v56 =	vld [tilespmem:s2+$0xFFFFFFF0];
	v46 =	vadd.f32 v23, v31  }
0x266: {  	v57 =	vld [tilespmem:s28+$0xFFFFFFF0];
	v47 =	vmul.f32 v23, v23;
	v42 =	vadd.f32 v1, v61;
	v1 =	vmul.f32 v30, v30;
	v45, _, _ =	vpop (xrf2);
	[tilespmem:s30+$0x20] =	vst v0  }
0x267: {  	[tilespmem:$0x1FDC0] =	vst v13;
	v13 =	vadd.f32 v7, v63;
	v9 =	vmul.f32 $1.562500000e-02, v45;
	v2 =	vadd.f32 v46, v2;
	v58 =	vld [tilespmem:s2+$0x0]  }
0x268: {  	v6 =	vadd.f32 v47, v62;
	v0 =	vadd.f32 v42, v30;
	v7 =	vmul.f32 v42, v42;
	v59 =	vld [tilespmem:s28+$0x0];
	v51, _, _ =	vpop (xrf2)  }
0x269: {  	v45 =	vadd.f32 v5, v26;
	v5 =	vld [tilespmem:s2+$0xFFFFFFE0];
	v37 =	vmul.f32 $1.562500000e-02, v51;
	v53 =	vmul.f32 v9, v9  }
0x26a: {  	v63 =	vadd.f32 v52, v50;
	(xrf2) =	vadd.scan.msk.f32 $0xffff, v2;
	v2 =	vadd.f32 v6, v4;
	v4 =	vld [tilespmem:s28+$0xFFFFFFD0]  }
0x26b: {  	v3 =	vmul.f32 v13, v13;
	v1 =	vadd.f32 v7, v1;
	v7 =	vld [tilespmem:s28+$0xFFFFFFE0];
	v6 =	vsub.f32 v37, v53  }
0x26c: {  	v55 =	vmul.f32 v45, v45;
	(xrf2) =	vadd.scan.msk.f32 $0xffff, v2;
	v2 =	vadd.f32 v28, v48;
	v28 =	vadd.f32 v45, v13  }
0x26d: {  	[tilespmem:s30+$0x60] =	vst v32;
	v39 =	vmul.f32 v18, v18;
	v32 =	vadd.f32 v57, v56;
	v6 =	vadd.f32 $9.999999740e-06, v6  }
0x26e: {  	v16 =	vmul.f32 v16, v14;
	v57 =	vld [tilespmem:s2+$0x30];
	v3 =	vadd.f32 v55, v3;
	v0 =	vadd.f32 v28, v0  }
0x26f: {  	v34 =	vadd.f32 v59, v58;
	v58 =	vld [tilespmem:s28+$0x30];
	v62 =	vadd.f32 v4, v54;
	v6 =	vbroadcast v6, $0xF  }
0x270: {  	v4 =	vmul.f32 v63, v63;
	v28 =	vadd.f32 v7, v5;
	v5 =	vld [tilespmem:s2+$0x10];
	(xrf2) =	vadd.scan.msk.f32 $0xffff, v0;
	v0 =	vadd.f32 v3, v1  }
0x271: {  	v3 =	vld [tilespmem:s28+$0x10];
	v1 =	vmul.f32 v62, v62;
	v60 =	vshra.s32 v6, $0x1;
	v6 =	vmul.f32 $5.000000000e-01, v6  }
0x272: {  	v61 =	vld [tilespmem:s2+$0x20];
	v56 =	vmul.f32 v32, v32;
	[tilespmem:s30+$0x40] =	vst v2;
	v2 =	vadd.f32 v27, v12;
	v7 =	vsub.s32 $0x5F3759DF, v60  }
0x273: {  	[tilespmem:s30+$0x70] =	vst v8;
	v14 =	vmovc v48;
	v54 =	vbroadcast v9, $0xF;
	v1 =	vadd.f32 v1, v4;
	v4 =	vld [tilespmem:s28+$0x20];
	v38 =	vmul.f32 v7, v6  }
0x274: {  	v52 =	vld [tilespmem:s2+$0xA0];
	[tilespmem:s30+$0x50] =	vst v2;
	v2 =	vadd.f32 v62, v63;
	v48, _, _ =	vpop (xrf2);
	(xrf2) =	vadd.scan.msk.f32 $0xffff, v0;
	v0 =	vadd.f32 v32, v28  }
0x275: {  	v11 =	vmovc v24;
	v41 =	vld [tilespmem:s2+$0x50];
	v37 =	vadd.f32 v58, v57;
	v50 =	vmul.f32 $1.562500000e-02, v48;
	v24 =	vmul.f32 v7, v38  }
0x276: {  	v40 =	vmul.f32 v28, v28;
	v36 =	vld [tilespmem:s28+$0x70];
	v35 =	vadd.f32 v3, v5;
	v0 =	vadd.f32 v0, v2  }
0x277: {  	v3 =	vld [tilespmem:s2+$0x40];
	v60, _, _ =	vpop (xrf2);
	v2 =	vmul.f32 v34, v34;
	v8 =	vmul.f32 v50, v50;
	v59 =	vsub.f32 $1.500000000e+00, v24  }
0x278: {  	v5 =	vmul.f32 $1.562500000e-02, v60;
	v24 =	vadd.f32 v56, v40;
	v40 =	vld [tilespmem:s28+$0x40];
	v27 =	vadd.f32 v4, v61  }
0x279: {  	v57 =	vld [tilespmem:s2+$0x60];
	v4 =	vadd.f32 v35, v34;
	v61 =	vmul.f32 v35, v35;
	v7 =	vmul.f32 v7, v59  }
0x27a: {  	v53 =	vbroadcast v50, $0xF;
	(xrf2) =	vadd.scan.msk.f32 $0xffff, v0;
	v0 =	vsub.f32 v5, v8;
	v5 =	vld [tilespmem:s28+$0x50];
	v1 =	vadd.f32 v24, v1  }
0x27b: {  	v56 =	vld [tilespmem:s2+$0x90];
	v60 =	vmul.f32 v27, v27;
	v2 =	vadd.f32 v61, v2;
	v8 =	vmul.f32 v7, v6  }
0x27c: {  	v58, _, _ =	vpop (xrf2);
	v59 =	vld [tilespmem:s28+$0x60];
	v61 =	vmul.f32 v37, v37;
	v0 =	vadd.f32 $9.999999740e-06, v0;
	(xrf2) =	vadd.scan.msk.f32 $0xffff, v1;
	v1 =	vadd.f32 v37, v27  }
0x27d: {  	v55 =	vmul.f32 $1.562500000e-02, v58;
	v38 =	vadd.f32 v40, v3;
	v3 =	vld [tilespmem:s2+$0x70];
	v8 =	vmul.f32 v8, v7  }
0x27e: {  	v24 =	vadd.f32 v61, v60;
	v60 =	vld [tilespmem:s28+$0x80];
	v0 =	vbroadcast v0, $0xF;
	v1 =	vadd.f32 v1, v4  }
0x27f: {  	v51 =	vmul.f32 v55, v55;
	v40, _, _ =	vpop (xrf2);
	v26 =	vadd.f32 v5, v41;
	v5 =	vld [tilespmem:s2+$0x80];
	v8 =	vsub.f32 $1.500000000e+00, v8  }
0x280: {  	v2 =	vadd.f32 v24, v2;
	v24 =	vld [tilespmem:$0x1FD70];
	v4 =	vmul.f32 v38, v38;
	v41 =	vmul.f32 $1.562500000e-02, v40  }
0x281: {  	v44 =	vadd.f32 v59, v57;
	v40 =	vld [tilespmem:s28+$0xA0];
	v61 =	vmul.f32 v26, v26;
	(xrf2) =	vadd.scan.msk.f32 $0xffff, v1;
	v7 =	vmul.f32 v8, v7  }
0x282: {  	v57 =	vmul.f32 $5.000000000e-01, v0;
	v1 =	vsub.f32 v41, v51;
	v51 =	vld [tilespmem:s28+$0x90];
	v46 =	vadd.f32 v36, v3  }
0x283: {  	v8 =	vadd.f32 v26, v38;
	v4 =	vadd.f32 v61, v4;
	v61 =	vld [tilespmem:s2+$0xFFFFFF00];
	v6 =	vmul.f32 v7, v6  }
0x284: {  	v59 =	vld [tilespmem:s28+$0xB0];
	v3 =	vmul.f32 v44, v44;
	v36, _, _ =	vpop (xrf2);
	(xrf2) =	vadd.scan.msk.f32 $0xffff, v2;
	v2 =	vadd.f32 v46, v44;
	v41 =	vmul.f32 v46, v46  }
0x285: {  	v1 =	vadd.f32 $9.999999740e-06, v1;
	v47 =	vadd.f32 v60, v5;
	v5 =	vld [tilespmem:s2+$0xB0];
	v6 =	vmul.f32 v6, v7  }
0x286: {  	v50 =	vmul.f32 $1.562500000e-02, v36;
	v2 =	vadd.f32 v2, v8;
	v3 =	vadd.f32 v41, v3;
	v41 =	vld [tilespmem:$0x1FFC0]  }
0x287: {  	v36 =	vadd.f32 v51, v56;
	v8 =	vmul.f32 v47, v47;
	v6 =	vsub.f32 $1.500000000e+00, v6  }
0x288: {  	v9 =	vadd.f32 v40, v52;
	v1 =	vbroadcast v1, $0xF;
	v51 =	vadd.f32 v24, v61  }
0x289: {  	v60, _, _ =	vpop (xrf2);
	(xrf2) =	vadd.scan.msk.f32 $0xffff, v2;
	v2 =	vadd.f32 v3, v4;
	v48 =	vmul.f32 v6, v7;
	v7 =	vmul.f32 v36, v36  }
0x28a: {  	v58 =	vmul.f32 v50, v50;
	v3 =	vsub.f32 v10, v54;
	v10 =	vadd.f32 v59, v5  }
0x28b: {  	v5 =	vmul.f32 v9, v9;
	v4 =	vmul.f32 v48, v41;
	v7 =	vadd.f32 v7, v8;
	v8, _, _ =	vpop (xrf2)  }
0x28c: {  	[tilespmem:$0x1FDD0] =	vst v9;
	v6 =	vadd.f32 v36, v47;
	v52 =	vmul.f32 $1.562500000e-02, v8;
	v8 =	vmul.f32 v10, v10  }
0x28d: {  	(xrf2) =	vadd.scan.msk.f32 $0xffff, v2;
	v2 =	vmul.f32 $1.562500000e-02, v60;
	v3 =	vmul.f32 v4, v3;
	v4 =	vadd.f32 v10, v9  }
0x28e: {  	[tilespmem:$0x1FDE0] =	vst v10;
	v24, _, _ =	vpop (xrf2);
	v9 =	vadd.f32 v18, v51;
	v10 =	vmul.f32 v51, v51;
	v5 =	vadd.f32 v8, v5  }
0x28f: {  	v24 =	vmul.f32 $1.562500000e-02, v24;
	v3 =	vadd.f32 v3, v43;
	v4 =	vadd.f32 v4, v6  }
0x290: {  	v6 =	vadd.f32 v15, v9;
	v8 =	vadd.f32 v39, v10;
	v9 =	vmul.f32 v52, v52  }
0x291: {  	s30 =	sadd.s32 $0x200, s30;
	v10 =	vsub.f32 v2, v58;
	v58 =	vmul.f32 $5.000000000e-01, v1;
	v5 =	vadd.f32 v5, v7  }
0x292: {  	[tilespmem:s30+$0xF0] =	vst v3;
	v3 =	vshra.s32 v0, $0x1;
	v7 =	vadd.f32 v49, v8;
	v0 =	vsub.f32 v24, v9  }
0x293: {  	(xrf2) =	vadd.scan.msk.f32 $0xffff, v6;
	v6 =	vshra.s32 v1, $0x1;
	v1 =	vadd.f32 $9.999999740e-06, v10;
	v2, _, _ =	vpop (xrf2);
	v3 =	vsub.s32 $0x5F3759DF, v3  }
0x294: {  	v49 =	vmul.f32 $1.562500000e-02, v2;
	(xrf2) =	vadd.scan.msk.f32 $0xffff, v4;
	v4 =	vsub.f32 v33, v53;
	v0 =	vadd.f32 $9.999999740e-06, v0  }
0x295: {  	v2 =	vmul.f32 v3, v57;
	v1 =	vbroadcast v1, $0xF  }
0x296: {  	v6 =	vsub.s32 $0x5F3759DF, v6;
	[tilespmem:$0x1FDF0] =	vst v4;
	v4 =	vmul.f32 v49, v49;
	v0 =	vbroadcast v0, $0xF  }
0x297: {  	v8, _, _ =	vpop (xrf2);
	v9 =	vshra.s32 v1, $0x1;
	v1 =	vmul.f32 $5.000000000e-01, v1;
	(xrf2) =	vadd.scan.msk.f32 $0xffff, v7;
	v7 =	vmul.f32 v6, v58  }
0x298: {  	v21 =	vadd.f32 v21, v12;
	v2 =	vmul.f32 v3, v2;
	v8 =	vmul.f32 $1.562500000e-02, v8  }
0x299: {  	v9 =	vsub.s32 $0x5F3759DF, v9;
	v10 =	vshra.s32 v0, $0x1;
	v7 =	vmul.f32 v6, v7  }
0x29a: {  	v0 =	vmul.f32 $5.000000000e-01, v0;
	v4 =	vsub.f32 v8, v4;
	v8 =	vsub.f32 v29, v53  }
0x29b: {  	(xrf2) =	vadd.scan.msk.f32 $0xffff, v5;
	v2 =	vsub.f32 $1.500000000e+00, v2;
	v10 =	vsub.s32 $0x5F3759DF, v10;
	v7 =	vsub.f32 $1.500000000e+00, v7  }
0x29c: {  	v5 =	vsub.f32 v31, v53;
	v15 =	vmul.f32 v10, v0;
	[tilespmem:$0x1FE00] =	vst v8;
	v8 =	vmul.f32 v9, v1  }
0x29d: {  	[tilespmem:s29+$0x90] =	vst v21;
	v2 =	vmul.f32 v3, v2;
	v4 =	vadd.f32 $9.999999740e-06, v4;
	v6 =	vmul.f32 v6, v7  }
0x29e: {  	v21 =	vadd.f32 v22, v43;
	[tilespmem:$0x1FE10] =	vst v5;
	v24, _, _ =	vpop (xrf2);
	v5 =	vmul.f32 v9, v8;
	v8 =	vmul.f32 v10, v15  }
0x29f: {  	v3 =	vsub.f32 v23, v53;
	v33 =	vmul.f32 $1.562500000e-02, v24;
	v4 =	vbroadcast v4, $0xF;
	v59, _, _ =	vpop (xrf2)  }
0x2a0: {  	v24 =	vbroadcast v55, $0xF;
	v60 =	vmul.f32 $1.562500000e-02, v59;
	v5 =	vsub.f32 $1.500000000e+00, v5  }
0x2a1: {  	v29 =	vmul.f32 v33, v33;
	v31 =	vshra.s32 v4, $0x1;
	v4 =	vmul.f32 $5.000000000e-01, v4  }
0x2a2: {  	[tilespmem:s29+$0xB0] =	vst v21;
	v8 =	vsub.f32 $1.500000000e+00, v8;
	v7 =	vsub.f32 v30, v24;
	v31 =	vsub.s32 $0x5F3759DF, v31  }
0x2a3: {  	[tilespmem:$0x1FE20] =	vst v3;
	v39 =	vsub.f32 v13, v24;
	v23, _, _ =	vpop (xrf2);
	v21 =	vbroadcast v60, $0xF;
	v3 =	vmul.f32 v31, v4  }
0x2a4: {  	v13 =	vsub.f32 v25, v54;
	[tilespmem:$0x1FE30] =	vst v7;
	v7 =	vmul.f32 v60, v60;
	v15 =	vmul.f32 $1.562500000e-02, v23  }
0x2a5: {  	v42 =	vsub.f32 v42, v24;
	v5 =	vmul.f32 v9, v5;
	v8 =	vmul.f32 v10, v8;
	v23, _, _ =	vpop (xrf2)  }
0x2a6: {  	v10 =	vmul.f32 v2, v57;
	[tilespmem:$0x1FE40] =	vst v13;
	v13 =	vsub.f32 v17, v54;
	v23 =	vmul.f32 $1.562500000e-02, v23  }
0x2a7: {  	v3 =	vmul.f32 v31, v3;
	v9 =	vsub.f32 v15, v29;
	v29 =	vmul.f32 v6, v58  }
0x2a8: {  	v45 =	vsub.f32 v45, v24;
	v24 =	vmul.f32 v5, v1;
	v10 =	vmul.f32 v10, v2  }
0x2a9: {  	v30 =	vmul.f32 v8, v0;
	[tilespmem:$0x1FE50] =	vst v13;
	v13 =	vld [tilespmem:$0x1FD80];
	v7 =	vsub.f32 v23, v7;
	v3 =	vsub.f32 $1.500000000e+00, v3  }
0x2aa: {  	v9 =	vadd.f32 $9.999999740e-06, v9;
	v25 =	vmul.f32 v29, v6;
	v24 =	vmul.f32 v24, v5  }
0x2ab: {  	v30 =	vmul.f32 v30, v8;
	v7 =	vadd.f32 $9.999999740e-06, v7;
	v3 =	vmul.f32 v31, v3  }
0x2ac: {  	v10 =	vsub.f32 $1.500000000e+00, v10;
	v9 =	vbroadcast v9, $0xF;
	v25 =	vsub.f32 $1.500000000e+00, v25  }
0x2ad: {  	v24 =	vsub.f32 $1.500000000e+00, v24;
	v7 =	vbroadcast v7, $0xF;
	v23 =	vmul.f32 v3, v4  }
0x2ae: {  	v40 =	vmovc v18;
	v2 =	vmul.f32 v10, v2;
	v18 =	vadd.f32 v13, v14;
	v13 =	vbroadcast v49, $0xF  }
0x2af: {  	v61 =	vshra.s32 v7, $0x1;
	v7 =	vmul.f32 $5.000000000e-01, v7;
	v23 =	vmul.f32 v23, v3  }
0x2b0: {  	v29 =	vshra.s32 v9, $0x1;
	v9 =	vmul.f32 $5.000000000e-01, v9;
	v53 =	vsub.s32 $0x5F3759DF, v61  }
0x2b1: {  	v29 =	vsub.s32 $0x5F3759DF, v29;
	v10 =	vsub.f32 $1.500000000e+00, v23;
	v23 =	vmul.f32 v53, v7  }
0x2b2: {  	v30 =	vsub.f32 $1.500000000e+00, v30;
	v6 =	vmul.f32 v25, v6;
	v31 =	vmul.f32 v29, v9  }
0x2b3: {  	v5 =	vmul.f32 v24, v5;
	v23 =	vmul.f32 v53, v23  }
0x2b4: {  	v8 =	vmul.f32 v30, v8;
	v31 =	vmul.f32 v29, v31  }
0x2b5: {  	v3 =	vmul.f32 v10, v3;
	v10 =	vsub.f32 v19, v54;
	v23 =	vsub.f32 $1.500000000e+00, v23  }
0x2b6: {  	v25 =	vbroadcast v52, $0xF;
	v1 =	vmul.f32 v5, v1;
	v31 =	vsub.f32 $1.500000000e+00, v31  }
0x2b7: {  	[tilespmem:$0x1FE60] =	vst v10;
	v10 =	vmul.f32 v2, v57;
	v23 =	vmul.f32 v53, v23  }
0x2b8: {  	[tilespmem:s29+$0x80] =	vst v18;
	v18 =	vadd.f32 v20, v11;
	v19 =	vmul.f32 v6, v58;
	v17 =	vmul.f32 v29, v31  }
0x2b9: {  	v55 =	vsub.f32 v38, v13;
	v10 =	vmul.f32 v10, v2;
	v20 =	vmul.f32 v23, v7  }
0x2ba: {  	v0 =	vmul.f32 v8, v0;
	v56 =	vsub.f32 v34, v25;
	v19 =	vmul.f32 v19, v6  }
0x2bb: {  	[tilespmem:s29+$0xA0] =	vst v18;
	v24 =	vmul.f32 v17, v9;
	v10 =	vsub.f32 $1.500000000e+00, v10;
	v18 =	vmul.f32 v20, v23  }
0x2bc: {  	v34 =	vsub.f32 v46, v13;
	v0 =	vmul.f32 v0, v8;
	v19 =	vsub.f32 $1.500000000e+00, v19  }
0x2bd: {  	v43 =	vld [tilespmem:$0x1FFD0];
	v24 =	vmul.f32 v24, v17;
	v20 =	vmul.f32 v10, v2;
	v2 =	vsub.f32 $1.500000000e+00, v18  }
0x2be: {  	v1 =	vmul.f32 v1, v5;
	v0 =	vsub.f32 $1.500000000e+00, v0;
	v4 =	vmul.f32 v3, v4  }
0x2bf: {  	v22 =	vsub.f32 $1.500000000e+00, v24;
	v18 =	vmul.f32 v19, v6;
	v19 =	vmul.f32 v2, v23;
	v2 =	vld [tilespmem:$0x1FD90]  }
0x2c0: {  	v1 =	vsub.f32 $1.500000000e+00, v1;
	v15 =	vmul.f32 v0, v8;
	v4 =	vmul.f32 v4, v3  }
0x2c1: {  	v54 =	vsub.f32 v27, v25;
	v17 =	vmul.f32 v22, v17;
	v22 =	vbroadcast v50, $0xF  }
0x2c2: {  	v58 =	vmul.f32 v15, v43;
	v52 =	vmul.f32 v15, v41;
	v4 =	vsub.f32 $1.500000000e+00, v4  }
0x2c3: {  	v9 =	vmul.f32 v17, v9;
	v50 =	vsub.f32 v63, v22;
	v0 =	vmul.f32 v19, v7  }
0x2c4: {  	v49 =	vmul.f32 v18, v41;
	v2 =	vadd.f32 v2, v14;
	v14 =	vmul.f32 v1, v5;
	v1 =	vld [tilespmem:$0x1FDA0]  }
0x2c5: {  	v53 =	vsub.f32 v28, v22;
	v0 =	vmul.f32 v0, v19;
	v5 =	vbroadcast v33, $0xF;
	v33 =	vld [tilespmem:$0x1FFE0]  }
0x2c6: {  	v28 =	vsub.f32 v32, v22;
	v32 =	vsub.f32 v26, v13;
	v6 =	vmul.f32 v9, v17  }
0x2c7: {  	v0 =	vsub.f32 $1.500000000e+00, v0;
	[tilespmem:s29+$0xC0] =	vst v2;
	v2 =	vadd.f32 v16, v11;
	v16 =	vmul.f32 v4, v3  }
0x2c8: {  	v26 =	vsub.f32 v44, v13;
	v3 =	vld [tilespmem:$0x1FDB0];
	v4 =	vmul.f32 v20, v41;
	v61 =	vmul.f32 v14, v43  }
0x2c9: {  	v6 =	vsub.f32 $1.500000000e+00, v6;
	v60 =	vmul.f32 v14, v41;
	v31 =	vmul.f32 v0, v19  }
0x2ca: {  	v0 =	vld [tilespmem:$0x1FDC0];
	v1 =	vadd.f32 v1, v12;
	v9 =	vmul.f32 v20, v33;
	v63 =	vmul.f32 v14, v33  }
0x2cb: {  	[tilespmem:s29+$0xE0] =	vst v2;
	v2 =	vsub.f32 v51, v5;
	v59 =	vmul.f32 v15, v33;
	v27 =	vmul.f32 v16, v33  }
0x2cc: {  	v11 =	vmul.f32 v31, v33;
	[tilespmem:s29+$0xD0] =	vst v1;
	v1 =	vmul.f32 v6, v17;
	v6 =	vsub.f32 v40, v5;
	v40 =	vld [tilespmem:$0x1FFF0]  }
0x2cd: {  	v12 =	vmul.f32 v31, v43;
	v13 =	vmul.f32 v48, v33;
	v24 =	vsub.f32 v3, v5  }
0x2ce: {  	v3 =	vmul.f32 v18, v33;
	v17 =	vsub.f32 v62, v22;
	v22 =	vmul.f32 v16, v43  }
0x2cf: {  	v8 =	vsub.f32 v0, v5;
	v5 =	vmul.f32 v20, v43;
	v0 =	vmul.f32 v18, v43  }
0x2d0: {  	s31 =	sadd.s32 $0x8, s31;
	v29 =	vmul.f32 v1, v33;
	v10 =	vmul.f32 v1, v43  }
0x2d1: {  	p0 =	slt.u32 s31, $0xC0;
	v30 =	vmul.f32 v1, v41;
	v23 =	vmul.f32 v1, v40  }
.Ltmp3:
0x2d2: {  	v7 =	vmul.f32 v20, v40;
	v1 =	vmul.f32 v18, v40;
	(pc) =	sbr.rel @p0 .LBB2_5-.Ltmp3, $4  }
0x2d3: {  	v62 =	vmul.f32 v14, v40;
	v57 =	vmul.f32 v15, v40  }
0x2d4: {  	v51 =	vsub.f32 v35, v25;
	v19 =	vmul.f32 v16, v40;
	v18 =	vmul.f32 v16, v41  }
0x2d5: {  	v25 =	vsub.f32 v37, v25;
	v20 =	vmul.f32 v31, v40;
	v14 =	vmul.f32 v31, v41  }
0x2d6: {  	s2 =	sadd.s32 $0x200, s2;
	v35 =	vsub.f32 v47, v21;
	s29 =	smov.u32 s30;
	v15 =	vmul.f32 v48, v40;
	v40 =	vmovc v36;
	v16 =	vmul.f32 v48, v43  }
0x2d7: {  	v2 =	vmul.f32 v29, v2;
	v29 =	vld [tilespmem:$0x1FF80];
	_ =	sdelay $0x1  }
0x2d8: {  	v38 =	vld [tilespmem:$0x1FFC0]  }
0x2d9: {  	v37 =	vld [tilespmem:$0x1FFD0]  }
0x2da: {  	v36 =	vld [tilespmem:$0x1FFF0]  }
0x2db: {  	v31 =	vld [tilespmem:$0x1FFE0];
	v2 =	vadd.f32 v2, v29  }
0x2dc: {  	v10 =	vmul.f32 v10, v24;
	v24 =	vld [tilespmem:$0x1FF90]  }
0x2dd: {  	v46 =	vld [tilespmem:$0x1FDF0];
	[tilespmem:s30+$0xFFFFFF00] =	vst v2  }
0x2de: {  	v6 =	vmul.f32 v23, v6;
	v23 =	vld [tilespmem:$0x1FFA0];
	_ =	sdelay $0x4  }
0x2df: {  	v47 =	vadd.f32 v10, v23;
	v10 =	vld [tilespmem:$0x1FE00];
	_ =	sdelay $0x1  }
0x2e0: {  	v6 =	vadd.f32 v6, v24;
	_ =	sdelay $0x1  }
0x2e1: {  	[tilespmem:s30+$0xFFFFFF10] =	vst v6  }
0x2e2: {  	v7 =	vmul.f32 v7, v10;
	v10 =	vld [tilespmem:$0x1FFB0];
	_ =	sdelay $0x2  }
0x2e3: {  	v8 =	vmul.f32 v30, v8;
	_ =	sdelay $0x1  }
0x2e4: {  	v48 =	vadd.f32 v8, v10;
	v8 =	vld [tilespmem:$0x1FE10];
	_ =	sdelay $0x1  }
0x2e5: {  	v9 =	vmul.f32 v9, v46;
	_ =	sdelay $0x1  }
0x2e6: {  	v1 =	vmul.f32 v1, v42;
	v33 =	vadd.f32 v9, v29;
	[tilespmem:s30+$0xFFFFFF20] =	vst v47  }
0x2e7: {  	v0 =	vmul.f32 v0, v39;
	v41 =	vadd.f32 v7, v24;
	v5 =	vmul.f32 v5, v8;
	v8 =	vld [tilespmem:$0x1FE20];
	[tilespmem:s30+$0xFFFFFF30] =	vst v48  }
0x2e8: {  	v39 =	vmul.f32 v59, v56;
	v1 =	vadd.f32 v1, v24;
	v43 =	vld [tilespmem:$0x1FE30];
	[tilespmem:s30+$0xFFFFFF40] =	vst v33  }
0x2e9: {  	v0 =	vadd.f32 v0, v23;
	v47 =	vmul.f32 v49, v45;
	[tilespmem:s30+$0xFFFFFF50] =	vst v41  }
0x2ea: {  	v42 =	vmul.f32 v57, v51;
	v45 =	vadd.f32 v39, v29;
	[tilespmem:s30+$0xFFFFFF90] =	vst v1  }
0x2eb: {  	v49 =	vmul.f32 v62, v17;
	v48 =	vmul.f32 v63, v50;
	v50 =	vadd.f32 v47, v10;
	[tilespmem:s30+$0xFFFFFFA0] =	vst v0  }
0x2ec: {  	v62 =	vmul.f32 v61, v53;
	v47 =	vadd.f32 v42, v24;
	[tilespmem:s30+$0x0] =	vst v45  }
0x2ed: {  	v33 =	vadd.f32 v49, v24;
	[tilespmem:s30+$0xFFFFFFB0] =	vst v50  }
0x2ee: {  	v41 =	vadd.f32 v62, v23;
	[tilespmem:s30+$0x10] =	vst v47  }
0x2ef: {  	v44 =	vadd.f32 v5, v23;
	v63 =	vadd.f32 v48, v29;
	v48 =	vmul.f32 v27, v55;
	[tilespmem:s30+$0xFFFFFFD0] =	vst v33  }
0x2f0: {  	[tilespmem:s30+$0xFFFFFFE0] =	vst v41;
	v3 =	vmul.f32 v3, v43  }
0x2f1: {  	v17 =	vmul.f32 v60, v28;
	[tilespmem:s30+$0xFFFFFF60] =	vst v44;
	v53 =	vadd.f32 v48, v29  }
0x2f2: {  	[tilespmem:s30+$0xFFFFFFC0] =	vst v63;
	v44 =	vmul.f32 v58, v54;
	v46 =	vadd.f32 v3, v29  }
0x2f3: {  	v4 =	vmul.f32 v4, v8;
	v43 =	vadd.f32 v17, v10;
	[tilespmem:s30+$0x40] =	vst v53  }
0x2f4: {  	v49 =	vadd.f32 v44, v23;
	[tilespmem:s30+$0xFFFFFF80] =	vst v46;
	v46 =	vmul.f32 v52, v25  }
0x2f5: {  	v4 =	vadd.f32 v4, v10;
	[tilespmem:s30+$0xFFFFFFF0] =	vst v43  }
0x2f6: {  	v50 =	vmul.f32 v19, v32;
	[tilespmem:s30+$0x20] =	vst v49;
	v51 =	vadd.f32 v46, v10  }
0x2f7: {  	[tilespmem:s30+$0xFFFFFF70] =	vst v4;
	v52 =	vmul.f32 v22, v26  }
0x2f8: {  	v54 =	vmul.f32 v18, v34;
	v4 =	vadd.f32 v50, v24;
	[tilespmem:s30+$0x30] =	vst v51  }
0x2f9: {  	v2 =	vadd.f32 v52, v23;
	v0 =	vld [tilespmem:$0x1FDD0]  }
0x2fa: {  	v55 =	vsub.f32 v40, v21;
	v3 =	vadd.f32 v54, v10;
	v6 =	vld [tilespmem:$0x1FDE0];
	[tilespmem:s30+$0x50] =	vst v4  }
0x2fb: {  	v56 =	vmul.f32 v11, v35;
	[tilespmem:s30+$0x60] =	vst v2  }
0x2fc: {  	v1 =	vmul.f32 v20, v55;
	[tilespmem:s30+$0x70] =	vst v3  }
0x2fd: {  	v57 =	vadd.f32 v56, v29;
	v3 =	vld [tilespmem:$0x1FE40]  }
0x2fe: {  	v1 =	vadd.f32 v1, v24  }
0x2ff: {  	[tilespmem:s29+$0x80] =	vst v57  }
0x300: {  	v2 =	vld [tilespmem:$0x1FE50];
	[tilespmem:s29+$0x90] =	vst v1  }
0x301: {  	v60 =	vld [tilespmem:$0x1FE60];
	v0 =	vsub.f32 v0, v21  }
0x302: {  	v6 =	vsub.f32 v6, v21;
	v3 =	vmul.f32 v13, v3  }
0x303: {  	v0 =	vmul.f32 v12, v0  }
0x304: {  	v58 =	vmul.f32 v14, v6;
	v61 =	vadd.f32 v3, v29  }
0x305: {  	v2 =	vmul.f32 v15, v2;
	v0 =	vadd.f32 v0, v23  }
0x306: {  	v4 =	vmul.f32 v16, v60;
	v59 =	vadd.f32 v58, v10;
	[tilespmem:s29+$0xC0] =	vst v61  }
.Ltmp4:
0x307: {  	s2 =	sadd.s32 s6, s26;
	v62 =	vadd.f32 v2, v24;
	[tilespmem:s29+$0xA0] =	vst v0;
	(pc) =	sbr.rel @p1 .LBB2_8-.Ltmp4, $4  }
0x308: {  	s2 =	smul.u32 $0x640, s2;
	v63 =	vadd.f32 v4, v23;
	[tilespmem:s29+$0xB0] =	vst v59  }
0x309: {  	[tilespmem:s29+$0xD0] =	vst v62  }
0x30a: {  	s2 =	sadd.s32 s4, s2;
	[tilespmem:s29+$0xE0] =	vst v63  }
0x30b: {  	[hbm4b:s2+s5] =	stream.linear.scatter [tilespmem:s21], [sflag:$0x4], $0x3200, $0x38;
	[tilespmem:$0x15E80] =	vst v63  }
0x30c: {  	s2 =	smul.u32 $0x640, s25  }
.Ltmp5:
0x30d: {  	_ = 	snop;
	(pc) =	sbr.rel .LBB2_2-.Ltmp5, $4  }
0x30e: {  	_ = 	snop  }
0x30f: {  	s2 =	sshra.s32 s2, $0x2  }
0x310: {  	s25 =	sadd.s32 $0x1, s25;
	s2 =	sadd.s32 $0x258, s2  }
0x311: {  	v52 =	vmovc v10;
	v57 =	vmovc v31;
	v58 =	vmov v36;
	v59 =	vmov v37;
	v11 =	vmov v38;
	[tilespmem:s17], [sflag:$0x2] =	stream.indirect.gather [hbm4b:s7+s15], $0x40, s2, s15, $0xb8;
	[tilespmem:$0x15E80] =	vst v63  }
.LBB2_9:
0x312: {  	_ =	sfence.sel $0x180000  }
0x313: {  	[bflag:$0x0] =	sbarrier.arrive $0xFFFF  }
0x314: {  	_ =	strace $0x90000047  }
0x315: {  	[bflag:$0x2] =	sbarrier.arrive $0xFFFF  }
0x316: {  	p0 =	sne.s32 s0, $0x0;
	s0 =	rddreg [dreg:$0x4]  }
0x317: {  	s0 =	sadd.s32 @!p0 $0x100000, s0  }
0x318: {  	[sflag:s0] =	ssyncadd.tile.s32 @!p0 $0x1;
	_ =	shalt  }
.Lfunc_end2:
_tile_overlayer_lowered:
.L_overlay_start_2:
0x319: {  	(tag) =	ssettag $0x2  }
0x31a: {  	s0 =	rddreg [dreg:$0x0];
	s2 =	stileid.u32  }
0x31b: {  	s1 =	rddreg [dreg:$0x1];
	p0 =	sne.s32 s2, $0x0  }
0x31c: {  	s3 =	rddreg [dreg:$0x2];
	[bflag:$0x3] =	sbarrier.arrive $0xFFFF;
	s2 =	simm.s32 @!p0 $0x1C05  }
0x31d: {  	[timem:s3], [sflag:s2] =	dma.local @!p0 [hbm:s0], s1  }
0x31e: {  	s0 =	simm.s32 @!p0 $0x5  }
0x31f: {  	_ =	swait.ge @!p0 [sflag:s0], s1  }
0x320: {  	s1 =	ssub.s32 @!p0 $0x0, s1;
	[sflag:s0] =	ssyncset.done @!p0 $0x0  }
0x321: {  	[sflag:s0] =	ssyncadd.s32 @!p0 s1  }
0x322: {  	[bflag:$0x3] =	sbarrier.arrive $0xFFFF  }
0x323: {  	_ =	shalt  }

// kernel: sparse-core-data-format-call.cloned.1.call-start
scs
called_computation_lowered:
.L_overlay_start_0:
0x0: {  	s2 =	sld [smem:$0x3FD9]  }
0x1: {  	s3 =	sld [smem:$0x3FFE];
	_ =	sdelay $0x1  }
0x2: {  	s1 =	srdreg.scid  }
0x3: {  	s0 =	sand.u32 $0x1, s1  }
0x4: {  	s18 =	sshll.u32 s0, $0xA;
	s2 =	sadd.s32 s3, s2  }
0x5: {  	s2 =	sadd.s32 s2, s18  }
0x6: {  	[smem:$0x3FC3] =	sst s2  }
0x7: {  	_ = 	snop  }
0x8: {  	s2 =	sld [smem:$0x3FD0];
	(tm) =	ssettm $0x1  }
0x9: {  	s19 =	sld [smem:$0x3FFB];
	_ =	sdelay $0x3  }
0xa: {  	_ =	strace s19  }
0xb: {  	s3 =	sld [smem:$0x3FFC];
	_ =	sdelay $0x3  }
0xc: {  	_ =	strace s3  }
0xd: {  	s3 =	sld [smem:$0x3FFD];
	_ =	sdelay $0x3  }
0xe: {  	_ =	strace s3  }
0xf: {  	_ =	strace $0x8FFFFFFF  }
0x10: {  	s20 =	sld [smem:$0x3FDB];
	_ =	sdelay $0x1  }
0x11: {  	s4 =	simm.s32 $_scs_section_size  }
0x12: {  	s5 =	simm.s32 $_size__tile_overlayer_lowered;
	s6 =	simm.s32 $_tile_overlayer_lowered  }
0x13: {  	s23 =	simm.s32 $0x1BFF;
	s22 =	sshll.u32 s6, $0x1;
	s3 =	sadd.s32 s4, s20  }
0x14: {  	s7 =	simm.s32 $0x0;
	s21 =	sshll.u32 s5, $0x1;
	s5 =	sadd.s32 s22, s3  }
0x15: {  	[timem:s7], [sflag:s23] =	dma.local [hbm:s5], s21  }
0x16: {  	_ =	swait.ge [sflag:s23], s21  }
0x17: {  	s4 =	ssub.s32 $0x0, s21;
	[sflag:s23] =	ssyncset.done $0x0  }
0x18: {  	[sflag:s23] =	ssyncadd.s32 s4;
	_ =	sdelay $0x1  }
0x19: {  	s24 =	simm.s32 $0x1B8B  }
0x1a: {  	_ =	swait.ge [sflag:s24], $0x1  }
0x1b: {  	[sflag:s24] =	ssyncset.done $0x0  }
0x1c: {  	s26 =	simm.s32 $0x1B8E;
	s25 =	sld [smem:$0x3FFE];
	[sflag:s24] =	ssyncadd.s32 $0xFFFFFFFF  }
0x1d: {  	s27 =	simm.s32 $execute0_lowered;
	[smem:$0x3FD2] =	sst s26  }
0x1e: {  	s5 =	sshll.u32 s27, $0x1;
	_ =	strace $0x80000049;
	[dreg:$0x1] =	wrdreg $0xFFFFFFFF  }
0x1f: {  	s28 =	simm.s32 $_size_execute0_lowered;
	s3 =	sadd.s32 s3, s5;
	[dreg:$0x0] =	wrdreg $0x0  }
0x20: {  	s5 =	sshll.u32 s28, $0x1;
	[dreg:$0x2] =	wrdreg s3  }
0x21: {  	[dreg:$0x3] =	wrdreg s5  }
0x22: {  	[dreg:$0x4] =	wrdreg $0xC0  }
0x23: {  	_ =	task [dreg:s7], $0x5FFFF  }
0x24: {  	[dreg:$0x1] =	wrdreg $0xFFFFFFFF  }
0x25: {  	[dreg:$0x0] =	wrdreg $0x60  }
0x26: {  	[dreg:$0x2] =	wrdreg s25  }
0x27: {  	[dreg:$0x3] =	wrdreg s2  }
0x28: {  	[dreg:$0x4] =	wrdreg $0x9  }
0x29: {  	_ =	task.clear_ibuf [dreg:s7], $0x5FFFF;
	_ =	strace $0x90000049  }
0x2a: {  	s29 =	simm.s32 $0x9;
	_ =	strace $0x8000004B  }
0x2b: {  	_ =	swait.ge [sflag:s29], $0x1  }
0x2c: {  	[sflag:s29] =	ssyncadd.s32 $0xFFFFFFFF  }
0x2d: {  	_ =	strace $0x9000004B  }
0x2e: {  	_ =	sfence  }
0x2f: {  	s30 =	sld [smem:$0x0];
	_ =	sdelay $0x2  }
0x30: {  	s31 =	sshll.u32 s1, $0xD;
	s1 =	sshrl.u32 s1, $0x2  }
0x31: {  	s3 =	sand.u32 $0x4000, s31;
	s1 =	sadd.s32 s1, s30  }
0x32: {  	s0 =	sor.u32 s3, s0;
	s1 =	sshll.u32 s1, $0x11  }
0x33: {  	s0 =	sor.u32 s1, s0  }
0x34: {  	s0 =	sadd.s32 $0x8F2B, s0  }
0x35: {  	[sflag:s0] =	ssyncadd.remote.s32 $0x1  }
0x36: {  	_ =	sfence.sel $0xFFFF  }
0x37: {  	[dreg:$0x0] =	wrdreg $0xFFFFFFFF;
	(pc) =	sbr.abs _section_cstart, $3  }
0x38: {  	[dreg:$0x1] =	wrdreg $0xFFFFFFFF  }
0x39: {  	_ =	task.clear_ibuf [dreg:s7], $0x2FFFF;
	_ =	strace $0x9FFFFFFF  }
0x3a: {  	(tm) =	ssettm $0x7FFFFFFF  }
0x3b: {  	_ =	shalt  }
tec
execute0_lowered:
.L_overlay_start_1:
0x0: {  	(tag) =	ssettag $0x1  }
0x1: {  	s0 =	srdreg.scid  }
0x2: {  	s1 =	sshll.u32 s0, $0x4  }
0x3: {  	s0 =	stileid.u32;
	s1 =	sand.u32 $0x10, s1  }
0x4: {  	s1 =	sor.u32 s0, s1  }
0x5: {  	s6 =	rddreg [dreg:$0x0];
	s4 =	simm.s32 $0x1;
	s2 =	sshll.u32 s1, $0x7  }
0x6: {  	s7 =	simm.s32 $0x2;
	s12 =	simm.s32 $0x0;
	s1 =	ssub.s32 $0x1000, s2  }
0x7: {  	s8 =	simm.s32 $0x8000;
	s13 =	simm.s32 $0x0;
	s3 =	sand.u32 $0xF80, s1  }
0x8: {  	s9 =	simm.s32 $0x0;
	s5 =	sshrl.u32 s1, $0xC;
	p0 =	sne.s32 s3, $0x0  }
.Ltmp0:
0x9: {  	s1 =	rddreg [dreg:$0x2];
	s4 =	simm.s32 @!p0 $0x0;
	(pc) =	sbr.rel .LBB1_1-.Ltmp0, $4  }
0xa: {  	s11 =	simm.s32 $0x0;
	s3 =	rddreg [dreg:$0x1];
	s5 =	sadd.s32 s4, s5  }
0xb: {  	_ =	strace $0x8000004A;
	s4 =	simm.s32 $0x1;
	s5 =	smul.u32 $0xC8, s5  }
0xc: {  	s6 =	sadd.s32 $0xC00, s6;
	s10 =	smov.u32 s2;
	[sflag:s4] =	ssyncpa.u1 $0x0  }
0xd: {  	p0 =	por $0x0, $0x0;
	[sflag:s7] =	ssyncpa.u1 $0x0;
	s7 =	sor.u32 $0x1, s5  }
.LBB1_4:
0xe: {  	s16 =	sshll.u32 s13, $0x3;
	s17 =	sand.u32 $0x78, s13  }
0xf: {  	s30 =	sand.u32 $0x7E00, s13;
	s12 =	sshll.u32 s12, $0xF;
	s16 =	sand.u32 $0xC00, s16  }
0x10: {  	[tilespmem:s15+$0x810 ss:$0x81] =	vst.msk $0xffff, v2;
	s31 =	sand.u32 $0x7, s13;
	s16 =	sor.u32 s17, s16;
	s17 =	sadd.s32 s3, s30  }
0x11: {  	[tilespmem:s15+$0x1020 ss:$0x81] =	vst.msk $0xffff, v0;
	s13 =	sshll.u32 s31, $0x12;
	s12 =	sadd.s32 s12, s17;
	s16 =	sshrl.u32 s16, $0x3  }
0x12: {  	[tilespmem:s15+$0x0 ss:$0x81] =	vst.msk $0xffff, v1;
	s13 =	sor.u32 $0x400, s13;
	s12 =	sadd.s32 s16, s12  }
0x13: {  	[hbm4b:s12+s13] =	stream.strided.scatter [tilespmem:s14], [sflag:$0x2], $0x2000, s8, s13, $0x20;
	[tilespmem:$0x8080] =	vst v63  }
.LBB1_5:
0x14: {  	s14 =	sadd.s32 $0x1, s9  }
0x15: {  	s12 =	sadd.s32 $0x1000, s10;
	s16 =	smov.u32 s10;
	p2 =	sgt.s32 s14, $0xC7  }
0x16: {  	s16 =	smov.u32 @p2 s12  }
0x17: {  	s14 =	simm.s32 @p2 $0x0;
	p2 =	sgt.s32 s16, $0xFFF  }
0x18: {  	s16 =	smov.u32 @p2 s2;
	p2 =	sne.s32 s11, s7  }
.Ltmp1:
0x19: {  	p1 =	slt.u32 s11, $0x2;
	(pc) =	sbr.rel @!p2 .LBB1_6-.Ltmp1, $4  }
0x1a: {  	s15 =	simm.s32 @!p1 $0x2  }
0x1b: {  	s13 =	smov.u32 s10;
	p0 =	por !p0, !p0;
	_ =	swait.ge @!p1 [sflag:s15], $0x2000  }
0x1c: {  	s12 =	smov.u32 s9;
	[sflag:s15] =	ssyncset.done @!p1 $0x0;
	s9 =	smov.u32 s14  }
0x1d: {  	s11 =	sadd.s32 $0x1, s11;
	[sflag:s15] =	ssyncadd.s32 @!p1 $0xFFFFE000;
	s10 =	smov.u32 s16  }
.LBB1_1:
0x1e: {  	p1 =	sge.u32 s11, s5  }
0x1f: {  	s14 =	sand.u32 @!p1 $0x1FFFFFF, s9  }
0x20: {  	s15 =	smulhi.u32 @!p1 $0x147AE15, s14;
	_ =	sdelay $0x1  }
0x21: {  	s15 =	smul.u32 @!p1 $0xC8, s15  }
0x22: {  	s16 =	sxor.u32 @!p1 $0xFFFFFFFF, s11;
	s17 =	smul.u32 @!p1 $0xC80, s10  }
0x23: {  	s31 =	sadd.s32 $0xFFFFFFFF, s11;
	s16 =	sshll.u32 @!p1 s16, $0xD;
	s14 =	ssub.s32 @!p1 s14, s15  }
0x24: {  	s15 =	sand.u32 @!p1 $0x2000, s16;
	s16 =	sadd.s32 @!p1 s6, s17;
	s14 =	sshll.u32 @!p1 s14, $0x4  }
0x25: {  	s17 =	simm.s32 @!p1 $0x6400;
	s14 =	sadd.s32 @!p1 s14, s16;
	s16 =	simm.s32 @!p1 $0x40  }
0x26: {  	[tilespmem:s15], [sflag:$0x1] =	stream.strided.gather @!p1 [hbm4b:s14+s16], $0x2000, s17, s16, $0x38;
	[tilespmem:$0x8080] =	vst v63  }
0x27: {  	p1 =	sge.u32 s31, s5  }
.Ltmp2:
0x28: {  	_ = 	snop;
	(pc) =	sbr.rel @p1 .LBB1_5-.Ltmp2, $1  }
0x29: {  	_ =	sdelay $0x3  }
0x2a: {  	s14 =	simm.s32 $0x1  }
0x2b: {  	_ =	swait.ge [sflag:s4], $0x2000;
	s14 =	simm.s32 @!p0 $0x0  }
0x2c: {  	[sflag:s4] =	ssyncset.done $0x0;
	s15 =	sshll.u32 s14, $0xD  }
0x2d: {  	[sflag:s4] =	ssyncadd.s32 $0xFFFFE000;
	s18 =	sor.u32 $0x20, s15  }
0x2e: {  	s14 =	smul.u32 $0x8100, s14;
	v3 =	vld [tilespmem:s18+$0x10]  }
0x2f: {  	s30 =	sand.u32 $0x1, s11;
	v2 =	vld [tilespmem:s18+$0xFFFFFFF0]  }
0x30: {  	s15 =	smul.u32 $0x8100, s30;
	s14 =	sshrl.u32 s14, $0x2;
	v0 =	vld [tilespmem:s18+$0x0]  }
0x31: {  	v1 =	vld [tilespmem:s18+$0xFFFFFFE0];
	s16 =	sor.u32 $0x4000, s14  }
0x32: {  	s31 =	sshrl.u32 s15, $0x2;
	s15 =	sadd.s32 $0x0, s16  }
0x33: {  	s17 =	simm.s32 $0x4;
	s18 =	sadd.s32 $0x40, s18;
	s14 =	sor.u32 $0x4000, s31;
	[tilespmem:s15+$0x1830 ss:$0x81] =	vst.msk $0xffff, v3  }
.LBB1_3:
0x34: {  	v3 =	vld [tilespmem:s18+$0x10];
	p1 =	sne.s32 s17, $0x1FC;
	[tilespmem:s15+$0x810 ss:$0x81] =	vst.msk $0xffff, v2;
	s19 =	smov.u32 s17;
	s17 =	sadd.s32 $0x4, s17  }
.Ltmp3:
0x35: {  	v2 =	vld [tilespmem:s18+$0xFFFFFFF0];
	[tilespmem:s15+$0x1020 ss:$0x81] =	vst.msk $0xffff, v0;
	(pc) =	sbr.rel @p1 .LBB1_3-.Ltmp3, $4  }
0x36: {  	v0 =	vld [tilespmem:s18+$0x0];
	[tilespmem:s15+$0x0 ss:$0x81] =	vst.msk $0xffff, v1  }
0x37: {  	s15 =	sshra.s32 s19, $0x2;
	v1 =	vld [tilespmem:s18+$0xFFFFFFE0]  }
0x38: {  	s15 =	sadd.s32 s15, s16  }
0x39: {  	s18 =	sadd.s32 $0x40, s18;
	[tilespmem:s15+$0x1830 ss:$0x81] =	vst.msk $0xffff, v3  }
.Ltmp4:
0x3a: {  	_ = 	snop;
	(pc) =	sbr.rel .LBB1_4-.Ltmp4, $1  }
0x3b: {  	_ =	sdelay $0x3  }
.LBB1_6:
0x3c: {  	_ =	sfence.sel $0x180000  }
0x3d: {  	s2 =	simm.s32 $0x1;
	[bflag:$0x0] =	sbarrier.arrive $0xFFFF  }
0x3e: {  	s31 =	simm.s32 $0x2;
	[sflag:s2] =	ssyncpa.u1 $0x1  }
0x3f: {  	[sflag:s31] =	ssyncpa.u1 $0x1  }
0x40: {  	p0 =	sne.s32 s0, $0x0;
	_ =	strace $0x9000004A  }
0x41: {  	s0 =	sadd.s32 @!p0 $0x100000, s1;
	[bflag:$0x2] =	sbarrier.arrive $0xFFFF  }
0x42: {  	[sflag:s0] =	ssyncadd.tile.s32 @!p0 $0x1;
	_ =	shalt  }
.Lfunc_end1:
_tile_overlayer_lowered:
.L_overlay_start_2:
0x43: {  	(tag) =	ssettag $0x2  }
0x44: {  	s0 =	rddreg [dreg:$0x0];
	s2 =	stileid.u32  }
0x45: {  	s1 =	rddreg [dreg:$0x1];
	p0 =	sne.s32 s2, $0x0  }
0x46: {  	s3 =	rddreg [dreg:$0x2];
	[bflag:$0x3] =	sbarrier.arrive $0xFFFF;
	s2 =	simm.s32 @!p0 $0x1C01  }
0x47: {  	[timem:s3], [sflag:s2] =	dma.local @!p0 [hbm:s0], s1  }
0x48: {  	s0 =	simm.s32 @!p0 $0x1  }
0x49: {  	_ =	swait.ge @!p0 [sflag:s0], s1  }
0x4a: {  	s1 =	ssub.s32 @!p0 $0x0, s1;
	[sflag:s0] =	ssyncset.done @!p0 $0x0  }
0x4b: {  	[sflag:s0] =	ssyncadd.s32 @!p0 s1  }
0x4c: {  	[bflag:$0x3] =	sbarrier.arrive $0xFFFF  }
0x4d: {  	_ =	shalt  }

</sc_bundles>
